<compile_context>
chip_gen: v7x
topology: tpu7x:2x2x1
jax: 0.10.2.dev20260603
libtpu: 0.0.44.dev20260713+nightly
codegen_flags: <defaults>
</compile_context>

<pallas_src>
import functools

import jax
import jax.numpy as jnp
from jax import lax
from jax.experimental import pallas as pl
from jax.experimental.pallas import tpu as pltpu
from jax.experimental.pallas import tpu_sc as plsc

N = 10000
D = 128
E = 320000
NC = 2
NS = 16
NW = NC * NS
CHUNK = 128
NPAD = 10240
EP = 327680
EPW = EP // NW
CPW = EPW // CHUNK
STG = 8
NSTG = CPW // STG
RPT = NPAD // NS
HPAD = 10240
RPTH = HPAD // NS
WB = 128
RB = 1000

_MESH = plsc.VectorSubcoreMesh(core_axis_name="c", subcore_axis_name="s",
                               num_cores=NC, num_subcores=NS)


_HIST_SCRATCH = [
    pltpu.VMEM((CPW, CHUNK), jnp.int32),
    pltpu.VMEM((RPTH,), jnp.float32),
    pltpu.VMEM_SHARED((HPAD,), jnp.float32),
]


def _hist_body(dst2_hbm, hout_hbm, dstv, vbuf, hacc):
    cid = lax.axis_index("c")
    sid = lax.axis_index("s")
    wid = cid * NS + sid
    zero16 = jnp.zeros((16,), jnp.float32)
    ones16 = jnp.ones((16,), jnp.float32)

    def fill_zero(i, c):
        vbuf[pl.ds(i * 16, 16)] = zero16
        return c
    lax.fori_loop(0, RPTH // 16, fill_zero, 0)
    pltpu.sync_copy(vbuf, hacc.at[pl.ds(sid * RPTH, RPTH)])

    def fill_ones(i, c):
        vbuf[pl.ds(i * 16, 16)] = ones16
        return c
    lax.fori_loop(0, CHUNK // 16, fill_ones, 0)
    pltpu.sync_copy(dst2_hbm.at[wid], dstv)
    plsc.subcore_barrier()

    ones_chunk = vbuf.at[pl.ds(0, CHUNK)]

    def step(i, c):
        pltpu.sync_copy(ones_chunk, hacc.at[dstv.at[i]], add=True)
        return c
    lax.fori_loop(0, CPW, step, 0)
    plsc.subcore_barrier()

    sl = pl.ds(sid * RPTH, RPTH)
    pltpu.sync_copy(hacc.at[sl], hout_hbm.at[cid, sl])


_hist = pl.kernel(
    _hist_body,
    out_type=jax.ShapeDtypeStruct((NC, HPAD), jnp.float32),
    mesh=_MESH,
    scratch_types=_HIST_SCRATCH,
)


_SCAT_SCRATCH = [
    pltpu.VMEM((STG, CHUNK), jnp.int32),
    pltpu.VMEM((STG, CHUNK), jnp.int32),
    pltpu.VMEM((CHUNK, D), jnp.float32),
    pltpu.VMEM((CHUNK, D), jnp.float32),
    pltpu.VMEM_SHARED((NPAD, D), jnp.float32),
    pltpu.SemaphoreType.DMA,
    pltpu.SemaphoreType.DMA,
    pltpu.SemaphoreType.DMA,
    pltpu.SemaphoreType.DMA,
]


def _scat_body(xs_hbm, src2_hbm, dst2_hbm, part_hbm, srcv, dstv, rowsa, rowsb,
               acc, gsema, gsemb, ssema, ssemb):
    cid = lax.axis_index("c")
    sid = lax.axis_index("s")
    wid = cid * NS + sid
    zero16 = jnp.zeros((16,), jnp.float32)

    def fill_zero(i, c):
        for k in range(D // 16):
            rowsa[i, pl.ds(k * 16, 16)] = zero16
        return c
    lax.fori_loop(0, WB, fill_zero, 0)

    for j in range(RPT // WB):
        pltpu.sync_copy(rowsa, acc.at[pl.ds(sid * RPT + j * WB, WB)])
    plsc.subcore_barrier()

    bufs = (rowsa, rowsb)
    gsems = (gsema, gsemb)
    ssems = (ssema, ssemb)

    def stage(j, c):
        pltpu.sync_copy(src2_hbm.at[wid, pl.ds(j * STG, STG)], srcv)
        pltpu.sync_copy(dst2_hbm.at[wid, pl.ds(j * STG, STG)], dstv)
        g_pend = pltpu.async_copy(xs_hbm.at[srcv.at[0]], bufs[0], gsems[0])
        s_pend = [None, None]
        for k in range(STG):
            if k + 1 < STG:
                if s_pend[(k + 1) % 2] is not None:
                    s_pend[(k + 1) % 2].wait()
                    s_pend[(k + 1) % 2] = None
                g_next = pltpu.async_copy(xs_hbm.at[srcv.at[k + 1]],
                                          bufs[(k + 1) % 2], gsems[(k + 1) % 2])
            g_pend.wait()
            s_pend[k % 2] = pltpu.async_copy(bufs[k % 2], acc.at[dstv.at[k]],
                                             ssems[k % 2], add=True)
            if k + 1 < STG:
                g_pend = g_next
        for p in s_pend:
            if p is not None:
                p.wait()
        return c
    lax.fori_loop(0, NSTG, stage, 0)
    plsc.subcore_barrier()

    for j in range(RPT // WB):
        sl = pl.ds(sid * RPT + j * WB, WB)
        pltpu.sync_copy(acc.at[sl], part_hbm.at[cid, sl])


_scat = pl.kernel(
    _scat_body,
    out_type=jax.ShapeDtypeStruct((NC, NPAD, D), jnp.float32),
    mesh=_MESH,
    scratch_types=_SCAT_SCRATCH,
)


def _mm_body(x_ref, w_ref, xh_ref):
    xh_ref[...] = jnp.dot(x_ref[...], w_ref[...],
                          preferred_element_type=jnp.float32)


def _dinv_col(h_ref):
    deg = h_ref[0] + h_ref[1] + 1.0
    return lax.rsqrt(deg)


def _scale_body(h_ref, xh_ref, xs_ref):
    xs_ref[...] = xh_ref[...] * _dinv_col(h_ref)


def _final_body(h_ref, p_ref, xs_ref, out_ref):
    out_ref[...] = (p_ref[0] + p_ref[1] + xs_ref[...]) * _dinv_col(h_ref)


def kernel(node_features, edge_list, W):
    npad_e = EP - E
    pad_dst = N + jax.lax.rem(jnp.arange(npad_e, dtype=jnp.int32),
                              jnp.int32(NPAD - N))
    pad_src = jax.lax.rem(jnp.arange(npad_e, dtype=jnp.int32), jnp.int32(N))
    srcp = jnp.concatenate([edge_list[0], pad_src])
    dstp = jnp.concatenate([edge_list[1], pad_dst])
    src2 = srcp.reshape(NW, CPW, CHUNK)
    dst2 = dstp.reshape(NW, CPW, CHUNK)

    hparts = _hist(dst2).reshape(NC, HPAD, 1)

    blk = pl.BlockSpec((RB, D), lambda i: (i, 0))
    hblk = pl.BlockSpec((NC, RB, 1), lambda i: (0, i, 0))
    xh = pl.pallas_call(
        _mm_body,
        grid=(N // RB,),
        in_specs=[blk, pl.BlockSpec((D, D), lambda i: (0, 0))],
        out_specs=blk,
        out_shape=jax.ShapeDtypeStruct((N, D), jnp.float32),
    )(node_features, W)

    xs = pl.pallas_call(
        _scale_body,
        grid=(N // RB,),
        in_specs=[hblk, blk],
        out_specs=blk,
        out_shape=jax.ShapeDtypeStruct((N, D), jnp.float32),
    )(hparts, xh)

    parts = _scat(xs, src2, dst2)

    pblk = pl.BlockSpec((NC, RB, D), lambda i: (0, i, 0))
    out = pl.pallas_call(
        _final_body,
        grid=(N // RB,),
        in_specs=[hblk, pblk, blk],
        out_specs=blk,
        out_shape=jax.ShapeDtypeStruct((N, D), jnp.float32),
    )(hparts, parts, xs)
    return out

# --- scband reference (transcript-rebuilt; emitter-appended) ---
"""Pipeline reference for scband-gcnconv-placeholder-75806172774871 (READ-ONLY COPY).

The authoritative reference and input builder live on the scoring server;
editing this copy changes nothing except your own understanding.
"""

import jax, jax.numpy as jnp
import numpy as np

N_NODES = 10000
N_EDGES = 320000
D_IN = 128
D_OUT = 128


def setup_inputs(seed: int = 0) -> dict:
    key = jax.random.key(seed)
    k1, k2, k3 = jax.random.split(key, 3)
    node_features = jax.random.normal(k1, (N_NODES, D_IN), dtype=jnp.float32)
    edge_list = jax.random.randint(k2, (2, N_EDGES), 0, N_NODES, dtype=jnp.int32)
    # learned weight (the placeholder holds a dummy [in_channels, out_channels] param)
    W = jax.random.normal(k3, (D_IN, D_OUT), dtype=jnp.float32) * 0.05
    return {"node_features": node_features, "edge_list": edge_list, "W": W}


def reference(node_features, edge_list, W):
    # Faithful GCN conv semantics (what gcn_conv_placeholder stands in for):
    # x' = D^{-1/2} (A + I) D^{-1/2} (X W)  with symmetric normalization.
    N = node_features.shape[0]
    src = edge_list[0]
    dst = edge_list[1]
    # add self loops
    loop = jnp.arange(N, dtype=src.dtype)
    src = jnp.concatenate([src, loop], axis=0)
    dst = jnp.concatenate([dst, loop], axis=0)
    # linear transform
    x = node_features @ W
    # symmetric degree normalization
    deg = jnp.zeros((N,), dtype=x.dtype).at[dst].add(1.0)
    dinv = jnp.where(deg > 0, 1.0 / jnp.sqrt(deg), 0.0)
    norm = dinv[src] * dinv[dst]
    # gather messages from source nodes, scale, scatter-add into destination nodes
    msgs = x[src] * norm[:, None]
    out = jnp.zeros((N, x.shape[1]), dtype=x.dtype).at[dst].add(msgs)
    return out

if __name__ == "__main__":
    import jax
    _d = setup_inputs()
    print(jax.jit(kernel)(*tuple(_d.values())))

</pallas_src>

<mosaic_0001>
#map = affine_map<(d0, d1) -> (0, 0)>
#map1 = affine_map<(d0, d1) -> (0, 0, 0)>
module attributes {stable_mosaic.version = 14 : i64} {
  func.func @_scat_body(%arg0: i32, %arg1: i32, %arg2: memref<10000x128xf32, #tpu.memory_space<hbm>>, %arg3: memref<32x80x128xi32, #tpu.memory_space<hbm>>, %arg4: memref<32x80x128xi32, #tpu.memory_space<hbm>>, %arg5: memref<2x10240x128xf32, #tpu.memory_space<hbm>>, %arg6: memref<8x128xi32, #tpu.memory_space<vmem>>, %arg7: memref<8x128xi32, #tpu.memory_space<vmem>>, %arg8: memref<128x128xf32, #tpu.memory_space<vmem>>, %arg9: memref<128x128xf32, #tpu.memory_space<vmem>>, %arg10: memref<10240x128xf32, #tpu.memory_space<vmem_shared>>, %arg11: memref<!tpu.dma_semaphore, #tpu.memory_space<semaphore_mem>>, %arg12: memref<!tpu.dma_semaphore, #tpu.memory_space<semaphore_mem>>, %arg13: memref<!tpu.dma_semaphore, #tpu.memory_space<semaphore_mem>>, %arg14: memref<!tpu.dma_semaphore, #tpu.memory_space<semaphore_mem>>) attributes {dimension_semantics = [#tpu.dimension_semantics<core_parallel>, #tpu.dimension_semantics<subcore_parallel>], iteration_bounds = array<i64: 2, 16>, scalar_prefetch = 0 : i64, scratch_operands = 9 : i64, tpu.core_type = #tpu.core_type<sc_vector_subcore>, window_params = [{transform_indices = #map}, {transform_indices = #map1}, {transform_indices = #map1}, {transform_indices = #map1}]} {
    %mul3A = arith.constant 16 : i32
    %mul3A_0 = arith.muli %arg0, %mul3A : i32
    %add3A = arith.addi %mul3A_0, %arg1 : i32
    %broadcast_in_dim3A = arith.constant 0.000000e+00 : f32
    %broadcast_in_dim3A_1 = vector.broadcast %broadcast_in_dim3A : f32 to vector<16xf32>
    %scan3A = arith.constant 0 : i32
    %scan3A_2 = arith.constant 0 : i32
    %scan3A_3 = arith.constant 128 : i32
    %scan3A_4 = arith.addi %scan3A_2, %scan3A_3 : i32
    %scan3A_5 = arith.constant 1 : i32
    scf.for %scan3A_54 = %scan3A_2 to %scan3A_4 step %scan3A_5  : i32 {
      %swap3A = arith.index_cast %scan3A_54 : i32 to index
      %swap3A_55 = arith.constant 0 : index
      %swap3A_56 = tpu.vector_load %arg8[%swap3A, %swap3A_55] {strides = array<i32>} : memref<128x128xf32, #tpu.memory_space<vmem>>, vector<1x16xf32>,
      %swap3A_57 = vector.shape_cast %swap3A_56 : vector<1x16xf32> to vector<16xf32>
      %swap3A_58 = vector.shape_cast %broadcast_in_dim3A_1 : vector<16xf32> to vector<1x16xf32>
      tpu.vector_store %arg8[%swap3A, %swap3A_55], %swap3A_58 {strides = array<i32>} : memref<128x128xf32, #tpu.memory_space<vmem>>, vector<1x16xf32>,
      %swap3A_59 = arith.index_cast %scan3A_54 : i32 to index
      %swap3A_60 = arith.constant 16 : index
      %swap3A_61 = tpu.vector_load %arg8[%swap3A_59, %swap3A_60] {strides = array<i32>} : memref<128x128xf32, #tpu.memory_space<vmem>>, vector<1x16xf32>,
      %swap3A_62 = vector.shape_cast %swap3A_61 : vector<1x16xf32> to vector<16xf32>
      %swap3A_63 = vector.shape_cast %broadcast_in_dim3A_1 : vector<16xf32> to vector<1x16xf32>
      tpu.vector_store %arg8[%swap3A_59, %swap3A_60], %swap3A_63 {strides = array<i32>} : memref<128x128xf32, #tpu.memory_space<vmem>>, vector<1x16xf32>,
      %swap3A_64 = arith.index_cast %scan3A_54 : i32 to index
      %swap3A_65 = arith.constant 32 : index
      %swap3A_66 = tpu.vector_load %arg8[%swap3A_64, %swap3A_65] {strides = array<i32>} : memref<128x128xf32, #tpu.memory_space<vmem>>, vector<1x16xf32>,
      %swap3A_67 = vector.shape_cast %swap3A_66 : vector<1x16xf32> to vector<16xf32>
      %swap3A_68 = vector.shape_cast %broadcast_in_dim3A_1 : vector<16xf32> to vector<1x16xf32>
      tpu.vector_store %arg8[%swap3A_64, %swap3A_65], %swap3A_68 {strides = array<i32>} : memref<128x128xf32, #tpu.memory_space<vmem>>, vector<1x16xf32>,
      %swap3A_69 = arith.index_cast %scan3A_54 : i32 to index
      %swap3A_70 = arith.constant 48 : index
      %swap3A_71 = tpu.vector_load %arg8[%swap3A_69, %swap3A_70] {strides = array<i32>} : memref<128x128xf32, #tpu.memory_space<vmem>>, vector<1x16xf32>,
      %swap3A_72 = vector.shape_cast %swap3A_71 : vector<1x16xf32> to vector<16xf32>
      %swap3A_73 = vector.shape_cast %broadcast_in_dim3A_1 : vector<16xf32> to vector<1x16xf32>
      tpu.vector_store %arg8[%swap3A_69, %swap3A_70], %swap3A_73 {strides = array<i32>} : memref<128x128xf32, #tpu.memory_space<vmem>>, vector<1x16xf32>,
      %swap3A_74 = arith.index_cast %scan3A_54 : i32 to index
      %swap3A_75 = arith.constant 64 : index
      %swap3A_76 = tpu.vector_load %arg8[%swap3A_74, %swap3A_75] {strides = array<i32>} : memref<128x128xf32, #tpu.memory_space<vmem>>, vector<1x16xf32>,
      %swap3A_77 = vector.shape_cast %swap3A_76 : vector<1x16xf32> to vector<16xf32>
      %swap3A_78 = vector.shape_cast %broadcast_in_dim3A_1 : vector<16xf32> to vector<1x16xf32>
      tpu.vector_store %arg8[%swap3A_74, %swap3A_75], %swap3A_78 {strides = array<i32>} : memref<128x128xf32, #tpu.memory_space<vmem>>, vector<1x16xf32>,
      %swap3A_79 = arith.index_cast %scan3A_54 : i32 to index
      %swap3A_80 = arith.constant 80 : index
      %swap3A_81 = tpu.vector_load %arg8[%swap3A_79, %swap3A_80] {strides = array<i32>} : memref<128x128xf32, #tpu.memory_space<vmem>>, vector<1x16xf32>,
      %swap3A_82 = vector.shape_cast %swap3A_81 : vector<1x16xf32> to vector<16xf32>
      %swap3A_83 = vector.shape_cast %broadcast_in_dim3A_1 : vector<16xf32> to vector<1x16xf32>
      tpu.vector_store %arg8[%swap3A_79, %swap3A_80], %swap3A_83 {strides = array<i32>} : memref<128x128xf32, #tpu.memory_space<vmem>>, vector<1x16xf32>,
      %swap3A_84 = arith.index_cast %scan3A_54 : i32 to index
      %swap3A_85 = arith.constant 96 : index
      %swap3A_86 = tpu.vector_load %arg8[%swap3A_84, %swap3A_85] {strides = array<i32>} : memref<128x128xf32, #tpu.memory_space<vmem>>, vector<1x16xf32>,
      %swap3A_87 = vector.shape_cast %swap3A_86 : vector<1x16xf32> to vector<16xf32>
      %swap3A_88 = vector.shape_cast %broadcast_in_dim3A_1 : vector<16xf32> to vector<1x16xf32>
      tpu.vector_store %arg8[%swap3A_84, %swap3A_85], %swap3A_88 {strides = array<i32>} : memref<128x128xf32, #tpu.memory_space<vmem>>, vector<1x16xf32>,
      %swap3A_89 = arith.index_cast %scan3A_54 : i32 to index
      %swap3A_90 = arith.constant 112 : index
      %swap3A_91 = tpu.vector_load %arg8[%swap3A_89, %swap3A_90] {strides = array<i32>} : memref<128x128xf32, #tpu.memory_space<vmem>>, vector<1x16xf32>,
      %swap3A_92 = vector.shape_cast %swap3A_91 : vector<1x16xf32> to vector<16xf32>
      %swap3A_93 = vector.shape_cast %broadcast_in_dim3A_1 : vector<16xf32> to vector<1x16xf32>
      tpu.vector_store %arg8[%swap3A_89, %swap3A_90], %swap3A_93 {strides = array<i32>} : memref<128x128xf32, #tpu.memory_space<vmem>>, vector<1x16xf32>,
    }
    %scan3A_6 = arith.constant 128 : i32
    %mul3A_7 = arith.constant 640 : i32
    %mul3A_8 = arith.muli %arg1, %mul3A_7 : i32
    %add3A_9 = arith.constant 0 : i32
    %add3A_10 = arith.addi %mul3A_8, %add3A_9 : i32
    "tpu.region"() ({
      %run_scoped3A = tpu.sem_alloc : memref<!tpu.dma_semaphore, #tpu.memory_space<semaphore_mem>>
      %dma_start3A = arith.constant 0 : i32
      %dma_start3A_54 = tpu.memref_slice %arg10[%add3A_10, %dma_start3A] : memref<10240x128xf32, #tpu.memory_space<vmem_shared>> -> memref<128x128xf32, #tpu.memory_space<vmem_shared>>
      %dma_start3A_55 = arith.constant 0 : i32
      %dma_start3A_56 = tpu.memref_slice %arg10[%add3A_10, %dma_start3A_55] : memref<10240x128xf32, #tpu.memory_space<vmem_shared>> -> memref<128x128xf32, #tpu.memory_space<vmem_shared>>
      tpu.enqueue_dma source(%arg8 : memref<128x128xf32, #tpu.memory_space<vmem>>) target(%dma_start3A_56 : memref<128x128xf32, #tpu.memory_space<vmem_shared>>) target_semaphore(%run_scoped3A : memref<!tpu.dma_semaphore, #tpu.memory_space<semaphore_mem>>)
      %dma_wait3A = arith.constant 0 : i32
      %dma_wait3A_57 = tpu.memref_slice %arg10[%add3A_10, %dma_wait3A] : memref<10240x128xf32, #tpu.memory_space<vmem_shared>> -> memref<128x128xf32, #tpu.memory_space<vmem_shared>>
      %dma_wait3A_58 = arith.constant 0 : i32
      %dma_wait3A_59 = tpu.memref_slice %arg10[%add3A_10, %dma_wait3A_58] : memref<10240x128xf32, #tpu.memory_space<vmem_shared>> -> memref<128x128xf32, #tpu.memory_space<vmem_shared>>
      tpu.wait_dma2 semaphore(%run_scoped3A : memref<!tpu.dma_semaphore, #tpu.memory_space<semaphore_mem>>) src(%arg8 : memref<128x128xf32, #tpu.memory_space<vmem>>) dst(%dma_wait3A_59 : memref<128x128xf32, #tpu.memory_space<vmem_shared>>)
      tpu.yield
    }) : () -> ()
    %mul3A_11 = arith.constant 640 : i32
    %mul3A_12 = arith.muli %arg1, %mul3A_11 : i32
    %add3A_13 = arith.constant 128 : i32
    %add3A_14 = arith.addi %mul3A_12, %add3A_13 : i32
    "tpu.region"() ({
      %run_scoped3A = tpu.sem_alloc : memref<!tpu.dma_semaphore, #tpu.memory_space<semaphore_mem>>
      %dma_start3A = arith.constant 0 : i32
      %dma_start3A_54 = tpu.memref_slice %arg10[%add3A_14, %dma_start3A] : memref<10240x128xf32, #tpu.memory_space<vmem_shared>> -> memref<128x128xf32, #tpu.memory_space<vmem_shared>>
      %dma_start3A_55 = arith.constant 0 : i32
      %dma_start3A_56 = tpu.memref_slice %arg10[%add3A_14, %dma_start3A_55] : memref<10240x128xf32, #tpu.memory_space<vmem_shared>> -> memref<128x128xf32, #tpu.memory_space<vmem_shared>>
      tpu.enqueue_dma source(%arg8 : memref<128x128xf32, #tpu.memory_space<vmem>>) target(%dma_start3A_56 : memref<128x128xf32, #tpu.memory_space<vmem_shared>>) target_semaphore(%run_scoped3A : memref<!tpu.dma_semaphore, #tpu.memory_space<semaphore_mem>>)
      %dma_wait3A = arith.constant 0 : i32
      %dma_wait3A_57 = tpu.memref_slice %arg10[%add3A_14, %dma_wait3A] : memref<10240x128xf32, #tpu.memory_space<vmem_shared>> -> memref<128x128xf32, #tpu.memory_space<vmem_shared>>
      %dma_wait3A_58 = arith.constant 0 : i32
      %dma_wait3A_59 = tpu.memref_slice %arg10[%add3A_14, %dma_wait3A_58] : memref<10240x128xf32, #tpu.memory_space<vmem_shared>> -> memref<128x128xf32, #tpu.memory_space<vmem_shared>>
      tpu.wait_dma2 semaphore(%run_scoped3A : memref<!tpu.dma_semaphore, #tpu.memory_space<semaphore_mem>>) src(%arg8 : memref<128x128xf32, #tpu.memory_space<vmem>>) dst(%dma_wait3A_59 : memref<128x128xf32, #tpu.memory_space<vmem_shared>>)
      tpu.yield
    }) : () -> ()
    %mul3A_15 = arith.constant 640 : i32
    %mul3A_16 = arith.muli %arg1, %mul3A_15 : i32
    %add3A_17 = arith.constant 256 : i32
    %add3A_18 = arith.addi %mul3A_16, %add3A_17 : i32
    "tpu.region"() ({
      %run_scoped3A = tpu.sem_alloc : memref<!tpu.dma_semaphore, #tpu.memory_space<semaphore_mem>>
      %dma_start3A = arith.constant 0 : i32
      %dma_start3A_54 = tpu.memref_slice %arg10[%add3A_18, %dma_start3A] : memref<10240x128xf32, #tpu.memory_space<vmem_shared>> -> memref<128x128xf32, #tpu.memory_space<vmem_shared>>
      %dma_start3A_55 = arith.constant 0 : i32
      %dma_start3A_56 = tpu.memref_slice %arg10[%add3A_18, %dma_start3A_55] : memref<10240x128xf32, #tpu.memory_space<vmem_shared>> -> memref<128x128xf32, #tpu.memory_space<vmem_shared>>
      tpu.enqueue_dma source(%arg8 : memref<128x128xf32, #tpu.memory_space<vmem>>) target(%dma_start3A_56 : memref<128x128xf32, #tpu.memory_space<vmem_shared>>) target_semaphore(%run_scoped3A : memref<!tpu.dma_semaphore, #tpu.memory_space<semaphore_mem>>)
      %dma_wait3A = arith.constant 0 : i32
      %dma_wait3A_57 = tpu.memref_slice %arg10[%add3A_18, %dma_wait3A] : memref<10240x128xf32, #tpu.memory_space<vmem_shared>> -> memref<128x128xf32, #tpu.memory_space<vmem_shared>>
      %dma_wait3A_58 = arith.constant 0 : i32
      %dma_wait3A_59 = tpu.memref_slice %arg10[%add3A_18, %dma_wait3A_58] : memref<10240x128xf32, #tpu.memory_space<vmem_shared>> -> memref<128x128xf32, #tpu.memory_space<vmem_shared>>
      tpu.wait_dma2 semaphore(%run_scoped3A : memref<!tpu.dma_semaphore, #tpu.memory_space<semaphore_mem>>) src(%arg8 : memref<128x128xf32, #tpu.memory_space<vmem>>) dst(%dma_wait3A_59 : memref<128x128xf32, #tpu.memory_space<vmem_shared>>)
      tpu.yield
    }) : () -> ()
    %mul3A_19 = arith.constant 640 : i32
    %mul3A_20 = arith.muli %arg1, %mul3A_19 : i32
    %add3A_21 = arith.constant 384 : i32
    %add3A_22 = arith.addi %mul3A_20, %add3A_21 : i32
    "tpu.region"() ({
      %run_scoped3A = tpu.sem_alloc : memref<!tpu.dma_semaphore, #tpu.memory_space<semaphore_mem>>
      %dma_start3A = arith.constant 0 : i32
      %dma_start3A_54 = tpu.memref_slice %arg10[%add3A_22, %dma_start3A] : memref<10240x128xf32, #tpu.memory_space<vmem_shared>> -> memref<128x128xf32, #tpu.memory_space<vmem_shared>>
      %dma_start3A_55 = arith.constant 0 : i32
      %dma_start3A_56 = tpu.memref_slice %arg10[%add3A_22, %dma_start3A_55] : memref<10240x128xf32, #tpu.memory_space<vmem_shared>> -> memref<128x128xf32, #tpu.memory_space<vmem_shared>>
      tpu.enqueue_dma source(%arg8 : memref<128x128xf32, #tpu.memory_space<vmem>>) target(%dma_start3A_56 : memref<128x128xf32, #tpu.memory_space<vmem_shared>>) target_semaphore(%run_scoped3A : memref<!tpu.dma_semaphore, #tpu.memory_space<semaphore_mem>>)
      %dma_wait3A = arith.constant 0 : i32
      %dma_wait3A_57 = tpu.memref_slice %arg10[%add3A_22, %dma_wait3A] : memref<10240x128xf32, #tpu.memory_space<vmem_shared>> -> memref<128x128xf32, #tpu.memory_space<vmem_shared>>
      %dma_wait3A_58 = arith.constant 0 : i32
      %dma_wait3A_59 = tpu.memref_slice %arg10[%add3A_22, %dma_wait3A_58] : memref<10240x128xf32, #tpu.memory_space<vmem_shared>> -> memref<128x128xf32, #tpu.memory_space<vmem_shared>>
      tpu.wait_dma2 semaphore(%run_scoped3A : memref<!tpu.dma_semaphore, #tpu.memory_space<semaphore_mem>>) src(%arg8 : memref<128x128xf32, #tpu.memory_space<vmem>>) dst(%dma_wait3A_59 : memref<128x128xf32, #tpu.memory_space<vmem_shared>>)
      tpu.yield
    }) : () -> ()
    %mul3A_23 = arith.constant 640 : i32
    %mul3A_24 = arith.muli %arg1, %mul3A_23 : i32
    %add3A_25 = arith.constant 512 : i32
    %add3A_26 = arith.addi %mul3A_24, %add3A_25 : i32
    "tpu.region"() ({
      %run_scoped3A = tpu.sem_alloc : memref<!tpu.dma_semaphore, #tpu.memory_space<semaphore_mem>>
      %dma_start3A = arith.constant 0 : i32
      %dma_start3A_54 = tpu.memref_slice %arg10[%add3A_26, %dma_start3A] : memref<10240x128xf32, #tpu.memory_space<vmem_shared>> -> memref<128x128xf32, #tpu.memory_space<vmem_shared>>
      %dma_start3A_55 = arith.constant 0 : i32
      %dma_start3A_56 = tpu.memref_slice %arg10[%add3A_26, %dma_start3A_55] : memref<10240x128xf32, #tpu.memory_space<vmem_shared>> -> memref<128x128xf32, #tpu.memory_space<vmem_shared>>
      tpu.enqueue_dma source(%arg8 : memref<128x128xf32, #tpu.memory_space<vmem>>) target(%dma_start3A_56 : memref<128x128xf32, #tpu.memory_space<vmem_shared>>) target_semaphore(%run_scoped3A : memref<!tpu.dma_semaphore, #tpu.memory_space<semaphore_mem>>)
      %dma_wait3A = arith.constant 0 : i32
      %dma_wait3A_57 = tpu.memref_slice %arg10[%add3A_26, %dma_wait3A] : memref<10240x128xf32, #tpu.memory_space<vmem_shared>> -> memref<128x128xf32, #tpu.memory_space<vmem_shared>>
      %dma_wait3A_58 = arith.constant 0 : i32
      %dma_wait3A_59 = tpu.memref_slice %arg10[%add3A_26, %dma_wait3A_58] : memref<10240x128xf32, #tpu.memory_space<vmem_shared>> -> memref<128x128xf32, #tpu.memory_space<vmem_shared>>
      tpu.wait_dma2 semaphore(%run_scoped3A : memref<!tpu.dma_semaphore, #tpu.memory_space<semaphore_mem>>) src(%arg8 : memref<128x128xf32, #tpu.memory_space<vmem>>) dst(%dma_wait3A_59 : memref<128x128xf32, #tpu.memory_space<vmem_shared>>)
      tpu.yield
    }) : () -> ()
    %barrier3A = arith.constant 0 : index
    tpu.barrier barrier_id(%barrier3A)
    %scan3A_27 = arith.constant 0 : i32
    %scan3A_28 = arith.constant 0 : i32
    %scan3A_29 = arith.constant 10 : i32
    %scan3A_30 = arith.addi %scan3A_28, %scan3A_29 : i32
    %scan3A_31 = arith.constant 1 : i32
    scf.for %scan3A_54 = %scan3A_28 to %scan3A_30 step %scan3A_31  : i32 {
      %mul3A_55 = arith.constant 8 : i32
      %mul3A_56 = arith.muli %scan3A_54, %mul3A_55 : i32
      "tpu.region"() ({
        %run_scoped3A = tpu.sem_alloc : memref<!tpu.dma_semaphore, #tpu.memory_space<semaphore_mem>>
        %dma_start3A_281 = arith.constant 0 : i32
        %dma_start3A_282 = tpu.memref_slice %arg3[%add3A, %mul3A_56, %dma_start3A_281] : memref<32x80x128xi32, #tpu.memory_space<hbm>> -> memref<1x8x128xi32, #tpu.memory_space<hbm>>
        %dma_start3A_283 = tpu.memref_squeeze %dma_start3A_282 : memref<1x8x128xi32, #tpu.memory_space<hbm>> -> memref<8x128xi32, #tpu.memory_space<hbm>>
        %dma_start3A_284 = arith.constant 0 : i32
        %dma_start3A_285 = tpu.memref_slice %arg3[%add3A, %mul3A_56, %dma_start3A_284] : memref<32x80x128xi32, #tpu.memory_space<hbm>> -> memref<1x8x128xi32, #tpu.memory_space<hbm>>
        %dma_start3A_286 = tpu.memref_squeeze %dma_start3A_285 : memref<1x8x128xi32, #tpu.memory_space<hbm>> -> memref<8x128xi32, #tpu.memory_space<hbm>>
        tpu.enqueue_dma source(%dma_start3A_286 : memref<8x128xi32, #tpu.memory_space<hbm>>) target(%arg6 : memref<8x128xi32, #tpu.memory_space<vmem>>) target_semaphore(%run_scoped3A : memref<!tpu.dma_semaphore, #tpu.memory_space<semaphore_mem>>)
        %dma_wait3A_287 = arith.constant 0 : i32
        %dma_wait3A_288 = tpu.memref_slice %arg3[%add3A, %mul3A_56, %dma_wait3A_287] : memref<32x80x128xi32, #tpu.memory_space<hbm>> -> memref<1x8x128xi32, #tpu.memory_space<hbm>>
        %dma_wait3A_289 = tpu.memref_squeeze %dma_wait3A_288 : memref<1x8x128xi32, #tpu.memory_space<hbm>> -> memref<8x128xi32, #tpu.memory_space<hbm>>
        %dma_wait3A_290 = arith.constant 0 : i32
        %dma_wait3A_291 = tpu.memref_slice %arg3[%add3A, %mul3A_56, %dma_wait3A_290] : memref<32x80x128xi32, #tpu.memory_space<hbm>> -> memref<1x8x128xi32, #tpu.memory_space<hbm>>
        %dma_wait3A_292 = tpu.memref_squeeze %dma_wait3A_291 : memref<1x8x128xi32, #tpu.memory_space<hbm>> -> memref<8x128xi32, #tpu.memory_space<hbm>>
        tpu.wait_dma2 semaphore(%run_scoped3A : memref<!tpu.dma_semaphore, #tpu.memory_space<semaphore_mem>>) src(%dma_wait3A_292 : memref<8x128xi32, #tpu.memory_space<hbm>>) dst(%arg6 : memref<8x128xi32, #tpu.memory_space<vmem>>)
        tpu.yield
      }) : () -> ()
      %mul3A_57 = arith.constant 8 : i32
      %mul3A_58 = arith.muli %scan3A_54, %mul3A_57 : i32
      "tpu.region"() ({
        %run_scoped3A = tpu.sem_alloc : memref<!tpu.dma_semaphore, #tpu.memory_space<semaphore_mem>>
        %dma_start3A_281 = arith.constant 0 : i32
        %dma_start3A_282 = tpu.memref_slice %arg4[%add3A, %mul3A_58, %dma_start3A_281] : memref<32x80x128xi32, #tpu.memory_space<hbm>> -> memref<1x8x128xi32, #tpu.memory_space<hbm>>
        %dma_start3A_283 = tpu.memref_squeeze %dma_start3A_282 : memref<1x8x128xi32, #tpu.memory_space<hbm>> -> memref<8x128xi32, #tpu.memory_space<hbm>>
        %dma_start3A_284 = arith.constant 0 : i32
        %dma_start3A_285 = tpu.memref_slice %arg4[%add3A, %mul3A_58, %dma_start3A_284] : memref<32x80x128xi32, #tpu.memory_space<hbm>> -> memref<1x8x128xi32, #tpu.memory_space<hbm>>
        %dma_start3A_286 = tpu.memref_squeeze %dma_start3A_285 : memref<1x8x128xi32, #tpu.memory_space<hbm>> -> memref<8x128xi32, #tpu.memory_space<hbm>>
        tpu.enqueue_dma source(%dma_start3A_286 : memref<8x128xi32, #tpu.memory_space<hbm>>) target(%arg7 : memref<8x128xi32, #tpu.memory_space<vmem>>) target_semaphore(%run_scoped3A : memref<!tpu.dma_semaphore, #tpu.memory_space<semaphore_mem>>)
        %dma_wait3A_287 = arith.constant 0 : i32
        %dma_wait3A_288 = tpu.memref_slice %arg4[%add3A, %mul3A_58, %dma_wait3A_287] : memref<32x80x128xi32, #tpu.memory_space<hbm>> -> memref<1x8x128xi32, #tpu.memory_space<hbm>>
        %dma_wait3A_289 = tpu.memref_squeeze %dma_wait3A_288 : memref<1x8x128xi32, #tpu.memory_space<hbm>> -> memref<8x128xi32, #tpu.memory_space<hbm>>
        %dma_wait3A_290 = arith.constant 0 : i32
        %dma_wait3A_291 = tpu.memref_slice %arg4[%add3A, %mul3A_58, %dma_wait3A_290] : memref<32x80x128xi32, #tpu.memory_space<hbm>> -> memref<1x8x128xi32, #tpu.memory_space<hbm>>
        %dma_wait3A_292 = tpu.memref_squeeze %dma_wait3A_291 : memref<1x8x128xi32, #tpu.memory_space<hbm>> -> memref<8x128xi32, #tpu.memory_space<hbm>>
        tpu.wait_dma2 semaphore(%run_scoped3A : memref<!tpu.dma_semaphore, #tpu.memory_space<semaphore_mem>>) src(%dma_wait3A_292 : memref<8x128xi32, #tpu.memory_space<hbm>>) dst(%arg7 : memref<8x128xi32, #tpu.memory_space<vmem>>)
        tpu.yield
      }) : () -> ()
      %dma_start3A = arith.constant 0 : i32
      %dma_start3A_59 = arith.constant 0 : i32
      %dma_start3A_60 = tpu.memref_slice %arg6[%dma_start3A, %dma_start3A_59] : memref<8x128xi32, #tpu.memory_space<vmem>> -> memref<1x128xi32, #tpu.memory_space<vmem>>
      %dma_start3A_61 = tpu.memref_squeeze %dma_start3A_60 : memref<1x128xi32, #tpu.memory_space<vmem>> -> memref<128xi32, #tpu.memory_space<vmem>>
      %dma_start3A_62 = arith.constant 0 : i32
      %dma_start3A_63 = arith.constant 0 : i32
      %dma_start3A_64 = tpu.memref_slice %arg2[%dma_start3A_62, %dma_start3A_63] : memref<10000x128xf32, #tpu.memory_space<hbm>> -> memref<10000x128xf32, #tpu.memory_space<hbm>>
      tpu.enqueue_indirect_dma source(%dma_start3A_64 : memref<10000x128xf32, #tpu.memory_space<hbm>>) target(%arg8 : memref<128x128xf32, #tpu.memory_space<vmem>>) offsets(%dma_start3A_61 : memref<128xi32, #tpu.memory_space<vmem>>) semaphore(%arg11 : memref<!tpu.dma_semaphore, #tpu.memory_space<semaphore_mem>>)
      %dma_start3A_65 = arith.constant 1 : i32
      %dma_start3A_66 = arith.constant 0 : i32
      %dma_start3A_67 = tpu.memref_slice %arg6[%dma_start3A_65, %dma_start3A_66] : memref<8x128xi32, #tpu.memory_space<vmem>> -> memref<1x128xi32, #tpu.memory_space<vmem>>
      %dma_start3A_68 = tpu.memref_squeeze %dma_start3A_67 : memref<1x128xi32, #tpu.memory_space<vmem>> -> memref<128xi32, #tpu.memory_space<vmem>>
      %dma_start3A_69 = arith.constant 0 : i32
      %dma_start3A_70 = arith.constant 0 : i32
      %dma_start3A_71 = tpu.memref_slice %arg2[%dma_start3A_69, %dma_start3A_70] : memref<10000x128xf32, #tpu.memory_space<hbm>> -> memref<10000x128xf32, #tpu.memory_space<hbm>>
      tpu.enqueue_indirect_dma source(%dma_start3A_71 : memref<10000x128xf32, #tpu.memory_space<hbm>>) target(%arg9 : memref<128x128xf32, #tpu.memory_space<vmem>>) offsets(%dma_start3A_68 : memref<128xi32, #tpu.memory_space<vmem>>) semaphore(%arg12 : memref<!tpu.dma_semaphore, #tpu.memory_space<semaphore_mem>>)
      %dma_wait3A = arith.constant 0 : i32
      %dma_wait3A_72 = arith.constant 0 : i32
      %dma_wait3A_73 = tpu.memref_slice %arg6[%dma_wait3A, %dma_wait3A_72] : memref<8x128xi32, #tpu.memory_space<vmem>> -> memref<1x128xi32, #tpu.memory_space<vmem>>
      %dma_wait3A_74 = tpu.memref_squeeze %dma_wait3A_73 : memref<1x128xi32, #tpu.memory_space<vmem>> -> memref<128xi32, #tpu.memory_space<vmem>>
      %dma_wait3A_75 = arith.constant 0 : i32
      %dma_wait3A_76 = arith.constant 0 : i32
      %dma_wait3A_77 = tpu.memref_slice %arg2[%dma_wait3A_75, %dma_wait3A_76] : memref<10000x128xf32, #tpu.memory_space<hbm>> -> memref<10000x128xf32, #tpu.memory_space<hbm>>
      tpu.wait_indirect_dma semaphore(%arg11 : memref<!tpu.dma_semaphore, #tpu.memory_space<semaphore_mem>>) src(%dma_wait3A_77 : memref<10000x128xf32, #tpu.memory_space<hbm>>) dst(%arg8 : memref<128x128xf32, #tpu.memory_space<vmem>>)
      %dma_start3A_78 = arith.constant 0 : i32
      %dma_start3A_79 = arith.constant 0 : i32
      %dma_start3A_80 = tpu.memref_slice %arg7[%dma_start3A_78, %dma_start3A_79] : memref<8x128xi32, #tpu.memory_space<vmem>> -> memref<1x128xi32, #tpu.memory_space<vmem>>
      %dma_start3A_81 = tpu.memref_squeeze %dma_start3A_80 : memref<1x128xi32, #tpu.memory_space<vmem>> -> memref<128xi32, #tpu.memory_space<vmem>>
      %dma_start3A_82 = arith.constant 0 : i32
      %dma_start3A_83 = arith.constant 0 : i32
      %dma_start3A_84 = tpu.memref_slice %arg10[%dma_start3A_82, %dma_start3A_83] : memref<10240x128xf32, #tpu.memory_space<vmem_shared>> -> memref<10240x128xf32, #tpu.memory_space<vmem_shared>>
      tpu.enqueue_indirect_dma source(%arg8 : memref<128x128xf32, #tpu.memory_space<vmem>>) target(%dma_start3A_84 : memref<10240x128xf32, #tpu.memory_space<vmem_shared>>) offsets(%dma_start3A_81 : memref<128xi32, #tpu.memory_space<vmem>>) semaphore(%arg13 : memref<!tpu.dma_semaphore, #tpu.memory_space<semaphore_mem>>) {add = true}
      %dma_wait3A_85 = arith.constant 0 : i32
      %dma_wait3A_86 = arith.constant 0 : i32
      %dma_wait3A_87 = tpu.memref_slice %arg7[%dma_wait3A_85, %dma_wait3A_86] : memref<8x128xi32, #tpu.memory_space<vmem>> -> memref<1x128xi32, #tpu.memory_space<vmem>>
      %dma_wait3A_88 = tpu.memref_squeeze %dma_wait3A_87 : memref<1x128xi32, #tpu.memory_space<vmem>> -> memref<128xi32, #tpu.memory_space<vmem>>
      %dma_wait3A_89 = arith.constant 0 : i32
      %dma_wait3A_90 = arith.constant 0 : i32
      %dma_wait3A_91 = tpu.memref_slice %arg10[%dma_wait3A_89, %dma_wait3A_90] : memref<10240x128xf32, #tpu.memory_space<vmem_shared>> -> memref<10240x128xf32, #tpu.memory_space<vmem_shared>>
      tpu.wait_indirect_dma semaphore(%arg13 : memref<!tpu.dma_semaphore, #tpu.memory_space<semaphore_mem>>) src(%arg8 : memref<128x128xf32, #tpu.memory_space<vmem>>) dst(%dma_wait3A_91 : memref<10240x128xf32, #tpu.memory_space<vmem_shared>>)
      %dma_start3A_92 = arith.constant 2 : i32
      %dma_start3A_93 = arith.constant 0 : i32
      %dma_start3A_94 = tpu.memref_slice %arg6[%dma_start3A_92, %dma_start3A_93] : memref<8x128xi32, #tpu.memory_space<vmem>> -> memref<1x128xi32, #tpu.memory_space<vmem>>
      %dma_start3A_95 = tpu.memref_squeeze %dma_start3A_94 : memref<1x128xi32, #tpu.memory_space<vmem>> -> memref<128xi32, #tpu.memory_space<vmem>>
      %dma_start3A_96 = arith.constant 0 : i32
      %dma_start3A_97 = arith.constant 0 : i32
      %dma_start3A_98 = tpu.memref_slice %arg2[%dma_start3A_96, %dma_start3A_97] : memref<10000x128xf32, #tpu.memory_space<hbm>> -> memref<10000x128xf32, #tpu.memory_space<hbm>>
      tpu.enqueue_indirect_dma source(%dma_start3A_98 : memref<10000x128xf32, #tpu.memory_space<hbm>>) target(%arg8 : memref<128x128xf32, #tpu.memory_space<vmem>>) offsets(%dma_start3A_95 : memref<128xi32, #tpu.memory_space<vmem>>) semaphore(%arg11 : memref<!tpu.dma_semaphore, #tpu.memory_space<semaphore_mem>>)
      %dma_wait3A_99 = arith.constant 1 : i32
      %dma_wait3A_100 = arith.constant 0 : i32
      %dma_wait3A_101 = tpu.memref_slice %arg6[%dma_wait3A_99, %dma_wait3A_100] : memref<8x128xi32, #tpu.memory_space<vmem>> -> memref<1x128xi32, #tpu.memory_space<vmem>>
      %dma_wait3A_102 = tpu.memref_squeeze %dma_wait3A_101 : memref<1x128xi32, #tpu.memory_space<vmem>> -> memref<128xi32, #tpu.memory_space<vmem>>
      %dma_wait3A_103 = arith.constant 0 : i32
      %dma_wait3A_104 = arith.constant 0 : i32
      %dma_wait3A_105 = tpu.memref_slice %arg2[%dma_wait3A_103, %dma_wait3A_104] : memref<10000x128xf32, #tpu.memory_space<hbm>> -> memref<10000x128xf32, #tpu.memory_space<hbm>>
      tpu.wait_indirect_dma semaphore(%arg12 : memref<!tpu.dma_semaphore, #tpu.memory_space<semaphore_mem>>) src(%dma_wait3A_105 : memref<10000x128xf32, #tpu.memory_space<hbm>>) dst(%arg9 : memref<128x128xf32, #tpu.memory_space<vmem>>)
      %dma_start3A_106 = arith.constant 1 : i32
      %dma_start3A_107 = arith.constant 0 : i32
      %dma_start3A_108 = tpu.memref_slice %arg7[%dma_start3A_106, %dma_start3A_107] : memref<8x128xi32, #tpu.memory_space<vmem>> -> memref<1x128xi32, #tpu.memory_space<vmem>>
      %dma_start3A_109 = tpu.memref_squeeze %dma_start3A_108 : memref<1x128xi32, #tpu.memory_space<vmem>> -> memref<128xi32, #tpu.memory_space<vmem>>
      %dma_start3A_110 = arith.constant 0 : i32
      %dma_start3A_111 = arith.constant 0 : i32
      %dma_start3A_112 = tpu.memref_slice %arg10[%dma_start3A_110, %dma_start3A_111] : memref<10240x128xf32, #tpu.memory_space<vmem_shared>> -> memref<10240x128xf32, #tpu.memory_space<vmem_shared>>
      tpu.enqueue_indirect_dma source(%arg9 : memref<128x128xf32, #tpu.memory_space<vmem>>) target(%dma_start3A_112 : memref<10240x128xf32, #tpu.memory_space<vmem_shared>>) offsets(%dma_start3A_109 : memref<128xi32, #tpu.memory_space<vmem>>) semaphore(%arg14 : memref<!tpu.dma_semaphore, #tpu.memory_space<semaphore_mem>>) {add = true}
      %dma_wait3A_113 = arith.constant 1 : i32
      %dma_wait3A_114 = arith.constant 0 : i32
      %dma_wait3A_115 = tpu.memref_slice %arg7[%dma_wait3A_113, %dma_wait3A_114] : memref<8x128xi32, #tpu.memory_space<vmem>> -> memref<1x128xi32, #tpu.memory_space<vmem>>
      %dma_wait3A_116 = tpu.memref_squeeze %dma_wait3A_115 : memref<1x128xi32, #tpu.memory_space<vmem>> -> memref<128xi32, #tpu.memory_space<vmem>>
      %dma_wait3A_117 = arith.constant 0 : i32
      %dma_wait3A_118 = arith.constant 0 : i32
      %dma_wait3A_119 = tpu.memref_slice %arg10[%dma_wait3A_117, %dma_wait3A_118] : memref<10240x128xf32, #tpu.memory_space<vmem_shared>> -> memref<10240x128xf32, #tpu.memory_space<vmem_shared>>
      tpu.wait_indirect_dma semaphore(%arg14 : memref<!tpu.dma_semaphore, #tpu.memory_space<semaphore_mem>>) src(%arg9 : memref<128x128xf32, #tpu.memory_space<vmem>>) dst(%dma_wait3A_119 : memref<10240x128xf32, #tpu.memory_space<vmem_shared>>)
      %dma_start3A_120 = arith.constant 3 : i32
      %dma_start3A_121 = arith.constant 0 : i32
      %dma_start3A_122 = tpu.memref_slice %arg6[%dma_start3A_120, %dma_start3A_121] : memref<8x128xi32, #tpu.memory_space<vmem>> -> memref<1x128xi32, #tpu.memory_space<vmem>>
      %dma_start3A_123 = tpu.memref_squeeze %dma_start3A_122 : memref<1x128xi32, #tpu.memory_space<vmem>> -> memref<128xi32, #tpu.memory_space<vmem>>
      %dma_start3A_124 = arith.constant 0 : i32
      %dma_start3A_125 = arith.constant 0 : i32
      %dma_start3A_126 = tpu.memref_slice %arg2[%dma_start3A_124, %dma_start3A_125] : memref<10000x128xf32, #tpu.memory_space<hbm>> -> memref<10000x128xf32, #tpu.memory_space<hbm>>
      tpu.enqueue_indirect_dma source(%dma_start3A_126 : memref<10000x128xf32, #tpu.memory_space<hbm>>) target(%arg9 : memref<128x128xf32, #tpu.memory_space<vmem>>) offsets(%dma_start3A_123 : memref<128xi32, #tpu.memory_space<vmem>>) semaphore(%arg12 : memref<!tpu.dma_semaphore, #tpu.memory_space<semaphore_mem>>)
      %dma_wait3A_127 = arith.constant 2 : i32
      %dma_wait3A_128 = arith.constant 0 : i32
      %dma_wait3A_129 = tpu.memref_slice %arg6[%dma_wait3A_127, %dma_wait3A_128] : memref<8x128xi32, #tpu.memory_space<vmem>> -> memref<1x128xi32, #tpu.memory_space<vmem>>
      %dma_wait3A_130 = tpu.memref_squeeze %dma_wait3A_129 : memref<1x128xi32, #tpu.memory_space<vmem>> -> memref<128xi32, #tpu.memory_space<vmem>>
      %dma_wait3A_131 = arith.constant 0 : i32
      %dma_wait3A_132 = arith.constant 0 : i32
      %dma_wait3A_133 = tpu.memref_slice %arg2[%dma_wait3A_131, %dma_wait3A_132] : memref<10000x128xf32, #tpu.memory_space<hbm>> -> memref<10000x128xf32, #tpu.memory_space<hbm>>
      tpu.wait_indirect_dma semaphore(%arg11 : memref<!tpu.dma_semaphore, #tpu.memory_space<semaphore_mem>>) src(%dma_wait3A_133 : memref<10000x128xf32, #tpu.memory_space<hbm>>) dst(%arg8 : memref<128x128xf32, #tpu.memory_space<vmem>>)
      %dma_start3A_134 = arith.constant 2 : i32
      %dma_start3A_135 = arith.constant 0 : i32
      %dma_start3A_136 = tpu.memref_slice %arg7[%dma_start3A_134, %dma_start3A_135] : memref<8x128xi32, #tpu.memory_space<vmem>> -> memref<1x128xi32, #tpu.memory_space<vmem>>
      %dma_start3A_137 = tpu.memref_squeeze %dma_start3A_136 : memref<1x128xi32, #tpu.memory_space<vmem>> -> memref<128xi32, #tpu.memory_space<vmem>>
      %dma_start3A_138 = arith.constant 0 : i32
      %dma_start3A_139 = arith.constant 0 : i32
      %dma_start3A_140 = tpu.memref_slice %arg10[%dma_start3A_138, %dma_start3A_139] : memref<10240x128xf32, #tpu.memory_space<vmem_shared>> -> memref<10240x128xf32, #tpu.memory_space<vmem_shared>>
      tpu.enqueue_indirect_dma source(%arg8 : memref<128x128xf32, #tpu.memory_space<vmem>>) target(%dma_start3A_140 : memref<10240x128xf32, #tpu.memory_space<vmem_shared>>) offsets(%dma_start3A_137 : memref<128xi32, #tpu.memory_space<vmem>>) semaphore(%arg13 : memref<!tpu.dma_semaphore, #tpu.memory_space<semaphore_mem>>) {add = true}
      %dma_wait3A_141 = arith.constant 2 : i32
      %dma_wait3A_142 = arith.constant 0 : i32
      %dma_wait3A_143 = tpu.memref_slice %arg7[%dma_wait3A_141, %dma_wait3A_142] : memref<8x128xi32, #tpu.memory_space<vmem>> -> memref<1x128xi32, #tpu.memory_space<vmem>>
      %dma_wait3A_144 = tpu.memref_squeeze %dma_wait3A_143 : memref<1x128xi32, #tpu.memory_space<vmem>> -> memref<128xi32, #tpu.memory_space<vmem>>
      %dma_wait3A_145 = arith.constant 0 : i32
      %dma_wait3A_146 = arith.constant 0 : i32
      %dma_wait3A_147 = tpu.memref_slice %arg10[%dma_wait3A_145, %dma_wait3A_146] : memref<10240x128xf32, #tpu.memory_space<vmem_shared>> -> memref<10240x128xf32, #tpu.memory_space<vmem_shared>>
      tpu.wait_indirect_dma semaphore(%arg13 : memref<!tpu.dma_semaphore, #tpu.memory_space<semaphore_mem>>) src(%arg8 : memref<128x128xf32, #tpu.memory_space<vmem>>) dst(%dma_wait3A_147 : memref<10240x128xf32, #tpu.memory_space<vmem_shared>>)
      %dma_start3A_148 = arith.constant 4 : i32
      %dma_start3A_149 = arith.constant 0 : i32
      %dma_start3A_150 = tpu.memref_slice %arg6[%dma_start3A_148, %dma_start3A_149] : memref<8x128xi32, #tpu.memory_space<vmem>> -> memref<1x128xi32, #tpu.memory_space<vmem>>
      %dma_start3A_151 = tpu.memref_squeeze %dma_start3A_150 : memref<1x128xi32, #tpu.memory_space<vmem>> -> memref<128xi32, #tpu.memory_space<vmem>>
      %dma_start3A_152 = arith.constant 0 : i32
      %dma_start3A_153 = arith.constant 0 : i32
      %dma_start3A_154 = tpu.memref_slice %arg2[%dma_start3A_152, %dma_start3A_153] : memref<10000x128xf32, #tpu.memory_space<hbm>> -> memref<10000x128xf32, #tpu.memory_space<hbm>>
      tpu.enqueue_indirect_dma source(%dma_start3A_154 : memref<10000x128xf32, #tpu.memory_space<hbm>>) target(%arg8 : memref<128x128xf32, #tpu.memory_space<vmem>>) offsets(%dma_start3A_151 : memref<128xi32, #tpu.memory_space<vmem>>) semaphore(%arg11 : memref<!tpu.dma_semaphore, #tpu.memory_space<semaphore_mem>>)
      %dma_wait3A_155 = arith.constant 3 : i32
      %dma_wait3A_156 = arith.constant 0 : i32
      %dma_wait3A_157 = tpu.memref_slice %arg6[%dma_wait3A_155, %dma_wait3A_156] : memref<8x128xi32, #tpu.memory_space<vmem>> -> memref<1x128xi32, #tpu.memory_space<vmem>>
      %dma_wait3A_158 = tpu.memref_squeeze %dma_wait3A_157 : memref<1x128xi32, #tpu.memory_space<vmem>> -> memref<128xi32, #tpu.memory_space<vmem>>
      %dma_wait3A_159 = arith.constant 0 : i32
      %dma_wait3A_160 = arith.constant 0 : i32
      %dma_wait3A_161 = tpu.memref_slice %arg2[%dma_wait3A_159, %dma_wait3A_160] : memref<10000x128xf32, #tpu.memory_space<hbm>> -> memref<10000x128xf32, #tpu.memory_space<hbm>>
      tpu.wait_indirect_dma semaphore(%arg12 : memref<!tpu.dma_semaphore, #tpu.memory_space<semaphore_mem>>) src(%dma_wait3A_161 : memref<10000x128xf32, #tpu.memory_space<hbm>>) dst(%arg9 : memref<128x128xf32, #tpu.memory_space<vmem>>)
      %dma_start3A_162 = arith.constant 3 : i32
      %dma_start3A_163 = arith.constant 0 : i32
      %dma_start3A_164 = tpu.memref_slice %arg7[%dma_start3A_162, %dma_start3A_163] : memref<8x128xi32, #tpu.memory_space<vmem>> -> memref<1x128xi32, #tpu.memory_space<vmem>>
      %dma_start3A_165 = tpu.memref_squeeze %dma_start3A_164 : memref<1x128xi32, #tpu.memory_space<vmem>> -> memref<128xi32, #tpu.memory_space<vmem>>
      %dma_start3A_166 = arith.constant 0 : i32
      %dma_start3A_167 = arith.constant 0 : i32
      %dma_start3A_168 = tpu.memref_slice %arg10[%dma_start3A_166, %dma_start3A_167] : memref<10240x128xf32, #tpu.memory_space<vmem_shared>> -> memref<10240x128xf32, #tpu.memory_space<vmem_shared>>
      tpu.enqueue_indirect_dma source(%arg9 : memref<128x128xf32, #tpu.memory_space<vmem>>) target(%dma_start3A_168 : memref<10240x128xf32, #tpu.memory_space<vmem_shared>>) offsets(%dma_start3A_165 : memref<128xi32, #tpu.memory_space<vmem>>) semaphore(%arg14 : memref<!tpu.dma_semaphore, #tpu.memory_space<semaphore_mem>>) {add = true}
      %dma_wait3A_169 = arith.constant 3 : i32
      %dma_wait3A_170 = arith.constant 0 : i32
      %dma_wait3A_171 = tpu.memref_slice %arg7[%dma_wait3A_169, %dma_wait3A_170] : memref<8x128xi32, #tpu.memory_space<vmem>> -> memref<1x128xi32, #tpu.memory_space<vmem>>
      %dma_wait3A_172 = tpu.memref_squeeze %dma_wait3A_171 : memref<1x128xi32, #tpu.memory_space<vmem>> -> memref<128xi32, #tpu.memory_space<vmem>>
      %dma_wait3A_173 = arith.constant 0 : i32
      %dma_wait3A_174 = arith.constant 0 : i32
      %dma_wait3A_175 = tpu.memref_slice %arg10[%dma_wait3A_173, %dma_wait3A_174] : memref<10240x128xf32, #tpu.memory_space<vmem_shared>> -> memref<10240x128xf32, #tpu.memory_space<vmem_shared>>
      tpu.wait_indirect_dma semaphore(%arg14 : memref<!tpu.dma_semaphore, #tpu.memory_space<semaphore_mem>>) src(%arg9 : memref<128x128xf32, #tpu.memory_space<vmem>>) dst(%dma_wait3A_175 : memref<10240x128xf32, #tpu.memory_space<vmem_shared>>)
      %dma_start3A_176 = arith.constant 5 : i32
      %dma_start3A_177 = arith.constant 0 : i32
      %dma_start3A_178 = tpu.memref_slice %arg6[%dma_start3A_176, %dma_start3A_177] : memref<8x128xi32, #tpu.memory_space<vmem>> -> memref<1x128xi32, #tpu.memory_space<vmem>>
      %dma_start3A_179 = tpu.memref_squeeze %dma_start3A_178 : memref<1x128xi32, #tpu.memory_space<vmem>> -> memref<128xi32, #tpu.memory_space<vmem>>
      %dma_start3A_180 = arith.constant 0 : i32
      %dma_start3A_181 = arith.constant 0 : i32
      %dma_start3A_182 = tpu.memref_slice %arg2[%dma_start3A_180, %dma_start3A_181] : memref<10000x128xf32, #tpu.memory_space<hbm>> -> memref<10000x128xf32, #tpu.memory_space<hbm>>
      tpu.enqueue_indirect_dma source(%dma_start3A_182 : memref<10000x128xf32, #tpu.memory_space<hbm>>) target(%arg9 : memref<128x128xf32, #tpu.memory_space<vmem>>) offsets(%dma_start3A_179 : memref<128xi32, #tpu.memory_space<vmem>>) semaphore(%arg12 : memref<!tpu.dma_semaphore, #tpu.memory_space<semaphore_mem>>)
      %dma_wait3A_183 = arith.constant 4 : i32
      %dma_wait3A_184 = arith.constant 0 : i32
      %dma_wait3A_185 = tpu.memref_slice %arg6[%dma_wait3A_183, %dma_wait3A_184] : memref<8x128xi32, #tpu.memory_space<vmem>> -> memref<1x128xi32, #tpu.memory_space<vmem>>
      %dma_wait3A_186 = tpu.memref_squeeze %dma_wait3A_185 : memref<1x128xi32, #tpu.memory_space<vmem>> -> memref<128xi32, #tpu.memory_space<vmem>>
      %dma_wait3A_187 = arith.constant 0 : i32
      %dma_wait3A_188 = arith.constant 0 : i32
      %dma_wait3A_189 = tpu.memref_slice %arg2[%dma_wait3A_187, %dma_wait3A_188] : memref<10000x128xf32, #tpu.memory_space<hbm>> -> memref<10000x128xf32, #tpu.memory_space<hbm>>
      tpu.wait_indirect_dma semaphore(%arg11 : memref<!tpu.dma_semaphore, #tpu.memory_space<semaphore_mem>>) src(%dma_wait3A_189 : memref<10000x128xf32, #tpu.memory_space<hbm>>) dst(%arg8 : memref<128x128xf32, #tpu.memory_space<vmem>>)
      %dma_start3A_190 = arith.constant 4 : i32
      %dma_start3A_191 = arith.constant 0 : i32
      %dma_start3A_192 = tpu.memref_slice %arg7[%dma_start3A_190, %dma_start3A_191] : memref<8x128xi32, #tpu.memory_space<vmem>> -> memref<1x128xi32, #tpu.memory_space<vmem>>
      %dma_start3A_193 = tpu.memref_squeeze %dma_start3A_192 : memref<1x128xi32, #tpu.memory_space<vmem>> -> memref<128xi32, #tpu.memory_space<vmem>>
      %dma_start3A_194 = arith.constant 0 : i32
      %dma_start3A_195 = arith.constant 0 : i32
      %dma_start3A_196 = tpu.memref_slice %arg10[%dma_start3A_194, %dma_start3A_195] : memref<10240x128xf32, #tpu.memory_space<vmem_shared>> -> memref<10240x128xf32, #tpu.memory_space<vmem_shared>>
      tpu.enqueue_indirect_dma source(%arg8 : memref<128x128xf32, #tpu.memory_space<vmem>>) target(%dma_start3A_196 : memref<10240x128xf32, #tpu.memory_space<vmem_shared>>) offsets(%dma_start3A_193 : memref<128xi32, #tpu.memory_space<vmem>>) semaphore(%arg13 : memref<!tpu.dma_semaphore, #tpu.memory_space<semaphore_mem>>) {add = true}
      %dma_wait3A_197 = arith.constant 4 : i32
      %dma_wait3A_198 = arith.constant 0 : i32
      %dma_wait3A_199 = tpu.memref_slice %arg7[%dma_wait3A_197, %dma_wait3A_198] : memref<8x128xi32, #tpu.memory_space<vmem>> -> memref<1x128xi32, #tpu.memory_space<vmem>>
      %dma_wait3A_200 = tpu.memref_squeeze %dma_wait3A_199 : memref<1x128xi32, #tpu.memory_space<vmem>> -> memref<128xi32, #tpu.memory_space<vmem>>
      %dma_wait3A_201 = arith.constant 0 : i32
      %dma_wait3A_202 = arith.constant 0 : i32
      %dma_wait3A_203 = tpu.memref_slice %arg10[%dma_wait3A_201, %dma_wait3A_202] : memref<10240x128xf32, #tpu.memory_space<vmem_shared>> -> memref<10240x128xf32, #tpu.memory_space<vmem_shared>>
      tpu.wait_indirect_dma semaphore(%arg13 : memref<!tpu.dma_semaphore, #tpu.memory_space<semaphore_mem>>) src(%arg8 : memref<128x128xf32, #tpu.memory_space<vmem>>) dst(%dma_wait3A_203 : memref<10240x128xf32, #tpu.memory_space<vmem_shared>>)
      %dma_start3A_204 = arith.constant 6 : i32
      %dma_start3A_205 = arith.constant 0 : i32
      %dma_start3A_206 = tpu.memref_slice %arg6[%dma_start3A_204, %dma_start3A_205] : memref<8x128xi32, #tpu.memory_space<vmem>> -> memref<1x128xi32, #tpu.memory_space<vmem>>
      %dma_start3A_207 = tpu.memref_squeeze %dma_start3A_206 : memref<1x128xi32, #tpu.memory_space<vmem>> -> memref<128xi32, #tpu.memory_space<vmem>>
      %dma_start3A_208 = arith.constant 0 : i32
      %dma_start3A_209 = arith.constant 0 : i32
      %dma_start3A_210 = tpu.memref_slice %arg2[%dma_start3A_208, %dma_start3A_209] : memref<10000x128xf32, #tpu.memory_space<hbm>> -> memref<10000x128xf32, #tpu.memory_space<hbm>>
      tpu.enqueue_indirect_dma source(%dma_start3A_210 : memref<10000x128xf32, #tpu.memory_space<hbm>>) target(%arg8 : memref<128x128xf32, #tpu.memory_space<vmem>>) offsets(%dma_start3A_207 : memref<128xi32, #tpu.memory_space<vmem>>) semaphore(%arg11 : memref<!tpu.dma_semaphore, #tpu.memory_space<semaphore_mem>>)
      %dma_wait3A_211 = arith.constant 5 : i32
      %dma_wait3A_212 = arith.constant 0 : i32
      %dma_wait3A_213 = tpu.memref_slice %arg6[%dma_wait3A_211, %dma_wait3A_212] : memref<8x128xi32, #tpu.memory_space<vmem>> -> memref<1x128xi32, #tpu.memory_space<vmem>>
      %dma_wait3A_214 = tpu.memref_squeeze %dma_wait3A_213 : memref<1x128xi32, #tpu.memory_space<vmem>> -> memref<128xi32, #tpu.memory_space<vmem>>
      %dma_wait3A_215 = arith.constant 0 : i32
      %dma_wait3A_216 = arith.constant 0 : i32
      %dma_wait3A_217 = tpu.memref_slice %arg2[%dma_wait3A_215, %dma_wait3A_216] : memref<10000x128xf32, #tpu.memory_space<hbm>> -> memref<10000x128xf32, #tpu.memory_space<hbm>>
      tpu.wait_indirect_dma semaphore(%arg12 : memref<!tpu.dma_semaphore, #tpu.memory_space<semaphore_mem>>) src(%dma_wait3A_217 : memref<10000x128xf32, #tpu.memory_space<hbm>>) dst(%arg9 : memref<128x128xf32, #tpu.memory_space<vmem>>)
      %dma_start3A_218 = arith.constant 5 : i32
      %dma_start3A_219 = arith.constant 0 : i32
      %dma_start3A_220 = tpu.memref_slice %arg7[%dma_start3A_218, %dma_start3A_219] : memref<8x128xi32, #tpu.memory_space<vmem>> -> memref<1x128xi32, #tpu.memory_space<vmem>>
      %dma_start3A_221 = tpu.memref_squeeze %dma_start3A_220 : memref<1x128xi32, #tpu.memory_space<vmem>> -> memref<128xi32, #tpu.memory_space<vmem>>
      %dma_start3A_222 = arith.constant 0 : i32
      %dma_start3A_223 = arith.constant 0 : i32
      %dma_start3A_224 = tpu.memref_slice %arg10[%dma_start3A_222, %dma_start3A_223] : memref<10240x128xf32, #tpu.memory_space<vmem_shared>> -> memref<10240x128xf32, #tpu.memory_space<vmem_shared>>
      tpu.enqueue_indirect_dma source(%arg9 : memref<128x128xf32, #tpu.memory_space<vmem>>) target(%dma_start3A_224 : memref<10240x128xf32, #tpu.memory_space<vmem_shared>>) offsets(%dma_start3A_221 : memref<128xi32, #tpu.memory_space<vmem>>) semaphore(%arg14 : memref<!tpu.dma_semaphore, #tpu.memory_space<semaphore_mem>>) {add = true}
      %dma_wait3A_225 = arith.constant 5 : i32
      %dma_wait3A_226 = arith.constant 0 : i32
      %dma_wait3A_227 = tpu.memref_slice %arg7[%dma_wait3A_225, %dma_wait3A_226] : memref<8x128xi32, #tpu.memory_space<vmem>> -> memref<1x128xi32, #tpu.memory_space<vmem>>
      %dma_wait3A_228 = tpu.memref_squeeze %dma_wait3A_227 : memref<1x128xi32, #tpu.memory_space<vmem>> -> memref<128xi32, #tpu.memory_space<vmem>>
      %dma_wait3A_229 = arith.constant 0 : i32
      %dma_wait3A_230 = arith.constant 0 : i32
      %dma_wait3A_231 = tpu.memref_slice %arg10[%dma_wait3A_229, %dma_wait3A_230] : memref<10240x128xf32, #tpu.memory_space<vmem_shared>> -> memref<10240x128xf32, #tpu.memory_space<vmem_shared>>
      tpu.wait_indirect_dma semaphore(%arg14 : memref<!tpu.dma_semaphore, #tpu.memory_space<semaphore_mem>>) src(%arg9 : memref<128x128xf32, #tpu.memory_space<vmem>>) dst(%dma_wait3A_231 : memref<10240x128xf32, #tpu.memory_space<vmem_shared>>)
      %dma_start3A_232 = arith.constant 7 : i32
      %dma_start3A_233 = arith.constant 0 : i32
      %dma_start3A_234 = tpu.memref_slice %arg6[%dma_start3A_232, %dma_start3A_233] : memref<8x128xi32, #tpu.memory_space<vmem>> -> memref<1x128xi32, #tpu.memory_space<vmem>>
      %dma_start3A_235 = tpu.memref_squeeze %dma_start3A_234 : memref<1x128xi32, #tpu.memory_space<vmem>> -> memref<128xi32, #tpu.memory_space<vmem>>
      %dma_start3A_236 = arith.constant 0 : i32
      %dma_start3A_237 = arith.constant 0 : i32
      %dma_start3A_238 = tpu.memref_slice %arg2[%dma_start3A_236, %dma_start3A_237] : memref<10000x128xf32, #tpu.memory_space<hbm>> -> memref<10000x128xf32, #tpu.memory_space<hbm>>
      tpu.enqueue_indirect_dma source(%dma_start3A_238 : memref<10000x128xf32, #tpu.memory_space<hbm>>) target(%arg9 : memref<128x128xf32, #tpu.memory_space<vmem>>) offsets(%dma_start3A_235 : memref<128xi32, #tpu.memory_space<vmem>>) semaphore(%arg12 : memref<!tpu.dma_semaphore, #tpu.memory_space<semaphore_mem>>)
      %dma_wait3A_239 = arith.constant 6 : i32
      %dma_wait3A_240 = arith.constant 0 : i32
      %dma_wait3A_241 = tpu.memref_slice %arg6[%dma_wait3A_239, %dma_wait3A_240] : memref<8x128xi32, #tpu.memory_space<vmem>> -> memref<1x128xi32, #tpu.memory_space<vmem>>
      %dma_wait3A_242 = tpu.memref_squeeze %dma_wait3A_241 : memref<1x128xi32, #tpu.memory_space<vmem>> -> memref<128xi32, #tpu.memory_space<vmem>>
      %dma_wait3A_243 = arith.constant 0 : i32
      %dma_wait3A_244 = arith.constant 0 : i32
      %dma_wait3A_245 = tpu.memref_slice %arg2[%dma_wait3A_243, %dma_wait3A_244] : memref<10000x128xf32, #tpu.memory_space<hbm>> -> memref<10000x128xf32, #tpu.memory_space<hbm>>
      tpu.wait_indirect_dma semaphore(%arg11 : memref<!tpu.dma_semaphore, #tpu.memory_space<semaphore_mem>>) src(%dma_wait3A_245 : memref<10000x128xf32, #tpu.memory_space<hbm>>) dst(%arg8 : memref<128x128xf32, #tpu.memory_space<vmem>>)
      %dma_start3A_246 = arith.constant 6 : i32
      %dma_start3A_247 = arith.constant 0 : i32
      %dma_start3A_248 = tpu.memref_slice %arg7[%dma_start3A_246, %dma_start3A_247] : memref<8x128xi32, #tpu.memory_space<vmem>> -> memref<1x128xi32, #tpu.memory_space<vmem>>
      %dma_start3A_249 = tpu.memref_squeeze %dma_start3A_248 : memref<1x128xi32, #tpu.memory_space<vmem>> -> memref<128xi32, #tpu.memory_space<vmem>>
      %dma_start3A_250 = arith.constant 0 : i32
      %dma_start3A_251 = arith.constant 0 : i32
      %dma_start3A_252 = tpu.memref_slice %arg10[%dma_start3A_250, %dma_start3A_251] : memref<10240x128xf32, #tpu.memory_space<vmem_shared>> -> memref<10240x128xf32, #tpu.memory_space<vmem_shared>>
      tpu.enqueue_indirect_dma source(%arg8 : memref<128x128xf32, #tpu.memory_space<vmem>>) target(%dma_start3A_252 : memref<10240x128xf32, #tpu.memory_space<vmem_shared>>) offsets(%dma_start3A_249 : memref<128xi32, #tpu.memory_space<vmem>>) semaphore(%arg13 : memref<!tpu.dma_semaphore, #tpu.memory_space<semaphore_mem>>) {add = true}
      %dma_wait3A_253 = arith.constant 7 : i32
      %dma_wait3A_254 = arith.constant 0 : i32
      %dma_wait3A_255 = tpu.memref_slice %arg6[%dma_wait3A_253, %dma_wait3A_254] : memref<8x128xi32, #tpu.memory_space<vmem>> -> memref<1x128xi32, #tpu.memory_space<vmem>>
      %dma_wait3A_256 = tpu.memref_squeeze %dma_wait3A_255 : memref<1x128xi32, #tpu.memory_space<vmem>> -> memref<128xi32, #tpu.memory_space<vmem>>
      %dma_wait3A_257 = arith.constant 0 : i32
      %dma_wait3A_258 = arith.constant 0 : i32
      %dma_wait3A_259 = tpu.memref_slice %arg2[%dma_wait3A_257, %dma_wait3A_258] : memref<10000x128xf32, #tpu.memory_space<hbm>> -> memref<10000x128xf32, #tpu.memory_space<hbm>>
      tpu.wait_indirect_dma semaphore(%arg12 : memref<!tpu.dma_semaphore, #tpu.memory_space<semaphore_mem>>) src(%dma_wait3A_259 : memref<10000x128xf32, #tpu.memory_space<hbm>>) dst(%arg9 : memref<128x128xf32, #tpu.memory_space<vmem>>)
      %dma_start3A_260 = arith.constant 7 : i32
      %dma_start3A_261 = arith.constant 0 : i32
      %dma_start3A_262 = tpu.memref_slice %arg7[%dma_start3A_260, %dma_start3A_261] : memref<8x128xi32, #tpu.memory_space<vmem>> -> memref<1x128xi32, #tpu.memory_space<vmem>>
      %dma_start3A_263 = tpu.memref_squeeze %dma_start3A_262 : memref<1x128xi32, #tpu.memory_space<vmem>> -> memref<128xi32, #tpu.memory_space<vmem>>
      %dma_start3A_264 = arith.constant 0 : i32
      %dma_start3A_265 = arith.constant 0 : i32
      %dma_start3A_266 = tpu.memref_slice %arg10[%dma_start3A_264, %dma_start3A_265] : memref<10240x128xf32, #tpu.memory_space<vmem_shared>> -> memref<10240x128xf32, #tpu.memory_space<vmem_shared>>
      tpu.enqueue_indirect_dma source(%arg9 : memref<128x128xf32, #tpu.memory_space<vmem>>) target(%dma_start3A_266 : memref<10240x128xf32, #tpu.memory_space<vmem_shared>>) offsets(%dma_start3A_263 : memref<128xi32, #tpu.memory_space<vmem>>) semaphore(%arg14 : memref<!tpu.dma_semaphore, #tpu.memory_space<semaphore_mem>>) {add = true}
      %dma_wait3A_267 = arith.constant 6 : i32
      %dma_wait3A_268 = arith.constant 0 : i32
      %dma_wait3A_269 = tpu.memref_slice %arg7[%dma_wait3A_267, %dma_wait3A_268] : memref<8x128xi32, #tpu.memory_space<vmem>> -> memref<1x128xi32, #tpu.memory_space<vmem>>
      %dma_wait3A_270 = tpu.memref_squeeze %dma_wait3A_269 : memref<1x128xi32, #tpu.memory_space<vmem>> -> memref<128xi32, #tpu.memory_space<vmem>>
      %dma_wait3A_271 = arith.constant 0 : i32
      %dma_wait3A_272 = arith.constant 0 : i32
      %dma_wait3A_273 = tpu.memref_slice %arg10[%dma_wait3A_271, %dma_wait3A_272] : memref<10240x128xf32, #tpu.memory_space<vmem_shared>> -> memref<10240x128xf32, #tpu.memory_space<vmem_shared>>
      tpu.wait_indirect_dma semaphore(%arg13 : memref<!tpu.dma_semaphore, #tpu.memory_space<semaphore_mem>>) src(%arg8 : memref<128x128xf32, #tpu.memory_space<vmem>>) dst(%dma_wait3A_273 : memref<10240x128xf32, #tpu.memory_space<vmem_shared>>)
      %dma_wait3A_274 = arith.constant 7 : i32
      %dma_wait3A_275 = arith.constant 0 : i32
      %dma_wait3A_276 = tpu.memref_slice %arg7[%dma_wait3A_274, %dma_wait3A_275] : memref<8x128xi32, #tpu.memory_space<vmem>> -> memref<1x128xi32, #tpu.memory_space<vmem>>
      %dma_wait3A_277 = tpu.memref_squeeze %dma_wait3A_276 : memref<1x128xi32, #tpu.memory_space<vmem>> -> memref<128xi32, #tpu.memory_space<vmem>>
      %dma_wait3A_278 = arith.constant 0 : i32
      %dma_wait3A_279 = arith.constant 0 : i32
      %dma_wait3A_280 = tpu.memref_slice %arg10[%dma_wait3A_278, %dma_wait3A_279] : memref<10240x128xf32, #tpu.memory_space<vmem_shared>> -> memref<10240x128xf32, #tpu.memory_space<vmem_shared>>
      tpu.wait_indirect_dma semaphore(%arg14 : memref<!tpu.dma_semaphore, #tpu.memory_space<semaphore_mem>>) src(%arg9 : memref<128x128xf32, #tpu.memory_space<vmem>>) dst(%dma_wait3A_280 : memref<10240x128xf32, #tpu.memory_space<vmem_shared>>)
    }
    %scan3A_32 = arith.constant 10 : i32
    %barrier3A_33 = arith.constant 0 : index
    tpu.barrier barrier_id(%barrier3A_33)
    %mul3A_34 = arith.constant 640 : i32
    %mul3A_35 = arith.muli %arg1, %mul3A_34 : i32
    %add3A_36 = arith.constant 0 : i32
    %add3A_37 = arith.addi %mul3A_35, %add3A_36 : i32
    "tpu.region"() ({
      %run_scoped3A = tpu.sem_alloc : memref<!tpu.dma_semaphore, #tpu.memory_space<semaphore_mem>>
      %dma_start3A = arith.constant 0 : i32
      %dma_start3A_54 = tpu.memref_slice %arg5[%arg0, %add3A_37, %dma_start3A] : memref<2x10240x128xf32, #tpu.memory_space<hbm>> -> memref<1x128x128xf32, #tpu.memory_space<hbm>>
      %dma_start3A_55 = tpu.memref_squeeze %dma_start3A_54 : memref<1x128x128xf32, #tpu.memory_space<hbm>> -> memref<128x128xf32, #tpu.memory_space<hbm>>
      %dma_start3A_56 = arith.constant 0 : i32
      %dma_start3A_57 = tpu.memref_slice %arg10[%add3A_37, %dma_start3A_56] : memref<10240x128xf32, #tpu.memory_space<vmem_shared>> -> memref<128x128xf32, #tpu.memory_space<vmem_shared>>
      tpu.enqueue_dma source(%dma_start3A_57 : memref<128x128xf32, #tpu.memory_space<vmem_shared>>) target(%dma_start3A_55 : memref<128x128xf32, #tpu.memory_space<hbm>>) target_semaphore(%run_scoped3A : memref<!tpu.dma_semaphore, #tpu.memory_space<semaphore_mem>>)
      %dma_wait3A = arith.constant 0 : i32
      %dma_wait3A_58 = tpu.memref_slice %arg5[%arg0, %add3A_37, %dma_wait3A] : memref<2x10240x128xf32, #tpu.memory_space<hbm>> -> memref<1x128x128xf32, #tpu.memory_space<hbm>>
      %dma_wait3A_59 = tpu.memref_squeeze %dma_wait3A_58 : memref<1x128x128xf32, #tpu.memory_space<hbm>> -> memref<128x128xf32, #tpu.memory_space<hbm>>
      %dma_wait3A_60 = arith.constant 0 : i32
      %dma_wait3A_61 = tpu.memref_slice %arg10[%add3A_37, %dma_wait3A_60] : memref<10240x128xf32, #tpu.memory_space<vmem_shared>> -> memref<128x128xf32, #tpu.memory_space<vmem_shared>>
      tpu.wait_dma2 semaphore(%run_scoped3A : memref<!tpu.dma_semaphore, #tpu.memory_space<semaphore_mem>>) src(%dma_wait3A_61 : memref<128x128xf32, #tpu.memory_space<vmem_shared>>) dst(%dma_wait3A_59 : memref<128x128xf32, #tpu.memory_space<hbm>>)
      tpu.yield
    }) : () -> ()
    %mul3A_38 = arith.constant 640 : i32
    %mul3A_39 = arith.muli %arg1, %mul3A_38 : i32
    %add3A_40 = arith.constant 128 : i32
    %add3A_41 = arith.addi %mul3A_39, %add3A_40 : i32
    "tpu.region"() ({
      %run_scoped3A = tpu.sem_alloc : memref<!tpu.dma_semaphore, #tpu.memory_space<semaphore_mem>>
      %dma_start3A = arith.constant 0 : i32
      %dma_start3A_54 = tpu.memref_slice %arg5[%arg0, %add3A_41, %dma_start3A] : memref<2x10240x128xf32, #tpu.memory_space<hbm>> -> memref<1x128x128xf32, #tpu.memory_space<hbm>>
      %dma_start3A_55 = tpu.memref_squeeze %dma_start3A_54 : memref<1x128x128xf32, #tpu.memory_space<hbm>> -> memref<128x128xf32, #tpu.memory_space<hbm>>
      %dma_start3A_56 = arith.constant 0 : i32
      %dma_start3A_57 = tpu.memref_slice %arg10[%add3A_41, %dma_start3A_56] : memref<10240x128xf32, #tpu.memory_space<vmem_shared>> -> memref<128x128xf32, #tpu.memory_space<vmem_shared>>
      tpu.enqueue_dma source(%dma_start3A_57 : memref<128x128xf32, #tpu.memory_space<vmem_shared>>) target(%dma_start3A_55 : memref<128x128xf32, #tpu.memory_space<hbm>>) target_semaphore(%run_scoped3A : memref<!tpu.dma_semaphore, #tpu.memory_space<semaphore_mem>>)
      %dma_wait3A = arith.constant 0 : i32
      %dma_wait3A_58 = tpu.memref_slice %arg5[%arg0, %add3A_41, %dma_wait3A] : memref<2x10240x128xf32, #tpu.memory_space<hbm>> -> memref<1x128x128xf32, #tpu.memory_space<hbm>>
      %dma_wait3A_59 = tpu.memref_squeeze %dma_wait3A_58 : memref<1x128x128xf32, #tpu.memory_space<hbm>> -> memref<128x128xf32, #tpu.memory_space<hbm>>
      %dma_wait3A_60 = arith.constant 0 : i32
      %dma_wait3A_61 = tpu.memref_slice %arg10[%add3A_41, %dma_wait3A_60] : memref<10240x128xf32, #tpu.memory_space<vmem_shared>> -> memref<128x128xf32, #tpu.memory_space<vmem_shared>>
      tpu.wait_dma2 semaphore(%run_scoped3A : memref<!tpu.dma_semaphore, #tpu.memory_space<semaphore_mem>>) src(%dma_wait3A_61 : memref<128x128xf32, #tpu.memory_space<vmem_shared>>) dst(%dma_wait3A_59 : memref<128x128xf32, #tpu.memory_space<hbm>>)
      tpu.yield
    }) : () -> ()
    %mul3A_42 = arith.constant 640 : i32
    %mul3A_43 = arith.muli %arg1, %mul3A_42 : i32
    %add3A_44 = arith.constant 256 : i32
    %add3A_45 = arith.addi %mul3A_43, %add3A_44 : i32
    "tpu.region"() ({
      %run_scoped3A = tpu.sem_alloc : memref<!tpu.dma_semaphore, #tpu.memory_space<semaphore_mem>>
      %dma_start3A = arith.constant 0 : i32
      %dma_start3A_54 = tpu.memref_slice %arg5[%arg0, %add3A_45, %dma_start3A] : memref<2x10240x128xf32, #tpu.memory_space<hbm>> -> memref<1x128x128xf32, #tpu.memory_space<hbm>>
      %dma_start3A_55 = tpu.memref_squeeze %dma_start3A_54 : memref<1x128x128xf32, #tpu.memory_space<hbm>> -> memref<128x128xf32, #tpu.memory_space<hbm>>
      %dma_start3A_56 = arith.constant 0 : i32
      %dma_start3A_57 = tpu.memref_slice %arg10[%add3A_45, %dma_start3A_56] : memref<10240x128xf32, #tpu.memory_space<vmem_shared>> -> memref<128x128xf32, #tpu.memory_space<vmem_shared>>
      tpu.enqueue_dma source(%dma_start3A_57 : memref<128x128xf32, #tpu.memory_space<vmem_shared>>) target(%dma_start3A_55 : memref<128x128xf32, #tpu.memory_space<hbm>>) target_semaphore(%run_scoped3A : memref<!tpu.dma_semaphore, #tpu.memory_space<semaphore_mem>>)
      %dma_wait3A = arith.constant 0 : i32
      %dma_wait3A_58 = tpu.memref_slice %arg5[%arg0, %add3A_45, %dma_wait3A] : memref<2x10240x128xf32, #tpu.memory_space<hbm>> -> memref<1x128x128xf32, #tpu.memory_space<hbm>>
      %dma_wait3A_59 = tpu.memref_squeeze %dma_wait3A_58 : memref<1x128x128xf32, #tpu.memory_space<hbm>> -> memref<128x128xf32, #tpu.memory_space<hbm>>
      %dma_wait3A_60 = arith.constant 0 : i32
      %dma_wait3A_61 = tpu.memref_slice %arg10[%add3A_45, %dma_wait3A_60] : memref<10240x128xf32, #tpu.memory_space<vmem_shared>> -> memref<128x128xf32, #tpu.memory_space<vmem_shared>>
      tpu.wait_dma2 semaphore(%run_scoped3A : memref<!tpu.dma_semaphore, #tpu.memory_space<semaphore_mem>>) src(%dma_wait3A_61 : memref<128x128xf32, #tpu.memory_space<vmem_shared>>) dst(%dma_wait3A_59 : memref<128x128xf32, #tpu.memory_space<hbm>>)
      tpu.yield
    }) : () -> ()
    %mul3A_46 = arith.constant 640 : i32
    %mul3A_47 = arith.muli %arg1, %mul3A_46 : i32
    %add3A_48 = arith.constant 384 : i32
    %add3A_49 = arith.addi %mul3A_47, %add3A_48 : i32
    "tpu.region"() ({
      %run_scoped3A = tpu.sem_alloc : memref<!tpu.dma_semaphore, #tpu.memory_space<semaphore_mem>>
      %dma_start3A = arith.constant 0 : i32
      %dma_start3A_54 = tpu.memref_slice %arg5[%arg0, %add3A_49, %dma_start3A] : memref<2x10240x128xf32, #tpu.memory_space<hbm>> -> memref<1x128x128xf32, #tpu.memory_space<hbm>>
      %dma_start3A_55 = tpu.memref_squeeze %dma_start3A_54 : memref<1x128x128xf32, #tpu.memory_space<hbm>> -> memref<128x128xf32, #tpu.memory_space<hbm>>
      %dma_start3A_56 = arith.constant 0 : i32
      %dma_start3A_57 = tpu.memref_slice %arg10[%add3A_49, %dma_start3A_56] : memref<10240x128xf32, #tpu.memory_space<vmem_shared>> -> memref<128x128xf32, #tpu.memory_space<vmem_shared>>
      tpu.enqueue_dma source(%dma_start3A_57 : memref<128x128xf32, #tpu.memory_space<vmem_shared>>) target(%dma_start3A_55 : memref<128x128xf32, #tpu.memory_space<hbm>>) target_semaphore(%run_scoped3A : memref<!tpu.dma_semaphore, #tpu.memory_space<semaphore_mem>>)
      %dma_wait3A = arith.constant 0 : i32
      %dma_wait3A_58 = tpu.memref_slice %arg5[%arg0, %add3A_49, %dma_wait3A] : memref<2x10240x128xf32, #tpu.memory_space<hbm>> -> memref<1x128x128xf32, #tpu.memory_space<hbm>>
      %dma_wait3A_59 = tpu.memref_squeeze %dma_wait3A_58 : memref<1x128x128xf32, #tpu.memory_space<hbm>> -> memref<128x128xf32, #tpu.memory_space<hbm>>
      %dma_wait3A_60 = arith.constant 0 : i32
      %dma_wait3A_61 = tpu.memref_slice %arg10[%add3A_49, %dma_wait3A_60] : memref<10240x128xf32, #tpu.memory_space<vmem_shared>> -> memref<128x128xf32, #tpu.memory_space<vmem_shared>>
      tpu.wait_dma2 semaphore(%run_scoped3A : memref<!tpu.dma_semaphore, #tpu.memory_space<semaphore_mem>>) src(%dma_wait3A_61 : memref<128x128xf32, #tpu.memory_space<vmem_shared>>) dst(%dma_wait3A_59 : memref<128x128xf32, #tpu.memory_space<hbm>>)
      tpu.yield
    }) : () -> ()
    %mul3A_50 = arith.constant 640 : i32
    %mul3A_51 = arith.muli %arg1, %mul3A_50 : i32
    %add3A_52 = arith.constant 512 : i32
    %add3A_53 = arith.addi %mul3A_51, %add3A_52 : i32
    "tpu.region"() ({
      %run_scoped3A = tpu.sem_alloc : memref<!tpu.dma_semaphore, #tpu.memory_space<semaphore_mem>>
      %dma_start3A = arith.constant 0 : i32
      %dma_start3A_54 = tpu.memref_slice %arg5[%arg0, %add3A_53, %dma_start3A] : memref<2x10240x128xf32, #tpu.memory_space<hbm>> -> memref<1x128x128xf32, #tpu.memory_space<hbm>>
      %dma_start3A_55 = tpu.memref_squeeze %dma_start3A_54 : memref<1x128x128xf32, #tpu.memory_space<hbm>> -> memref<128x128xf32, #tpu.memory_space<hbm>>
      %dma_start3A_56 = arith.constant 0 : i32
      %dma_start3A_57 = tpu.memref_slice %arg10[%add3A_53, %dma_start3A_56] : memref<10240x128xf32, #tpu.memory_space<vmem_shared>> -> memref<128x128xf32, #tpu.memory_space<vmem_shared>>
      tpu.enqueue_dma source(%dma_start3A_57 : memref<128x128xf32, #tpu.memory_space<vmem_shared>>) target(%dma_start3A_55 : memref<128x128xf32, #tpu.memory_space<hbm>>) target_semaphore(%run_scoped3A : memref<!tpu.dma_semaphore, #tpu.memory_space<semaphore_mem>>)
      %dma_wait3A = arith.constant 0 : i32
      %dma_wait3A_58 = tpu.memref_slice %arg5[%arg0, %add3A_53, %dma_wait3A] : memref<2x10240x128xf32, #tpu.memory_space<hbm>> -> memref<1x128x128xf32, #tpu.memory_space<hbm>>
      %dma_wait3A_59 = tpu.memref_squeeze %dma_wait3A_58 : memref<1x128x128xf32, #tpu.memory_space<hbm>> -> memref<128x128xf32, #tpu.memory_space<hbm>>
      %dma_wait3A_60 = arith.constant 0 : i32
      %dma_wait3A_61 = tpu.memref_slice %arg10[%add3A_53, %dma_wait3A_60] : memref<10240x128xf32, #tpu.memory_space<vmem_shared>> -> memref<128x128xf32, #tpu.memory_space<vmem_shared>>
      tpu.wait_dma2 semaphore(%run_scoped3A : memref<!tpu.dma_semaphore, #tpu.memory_space<semaphore_mem>>) src(%dma_wait3A_61 : memref<128x128xf32, #tpu.memory_space<vmem_shared>>) dst(%dma_wait3A_59 : memref<128x128xf32, #tpu.memory_space<hbm>>)
      tpu.yield
    }) : () -> ()
    return
  }
}

#map = affine_map<(d0, d1) -> (0, 0, 0)>
#map1 = affine_map<(d0, d1) -> (0, 0)>
module attributes {stable_mosaic.version = 14 : i64} {
  func.func @_hist_body(%arg0: i32, %arg1: i32, %arg2: memref<32x80x128xi32, #tpu.memory_space<hbm>>, %arg3: memref<2x10240xf32, #tpu.memory_space<hbm>>, %arg4: memref<80x128xi32, #tpu.memory_space<vmem>>, %arg5: memref<640xf32, #tpu.memory_space<vmem>>, %arg6: memref<10240xf32, #tpu.memory_space<vmem_shared>>) attributes {dimension_semantics = [#tpu.dimension_semantics<core_parallel>, #tpu.dimension_semantics<subcore_parallel>], iteration_bounds = array<i64: 2, 16>, scalar_prefetch = 0 : i64, scratch_operands = 3 : i64, tpu.core_type = #tpu.core_type<sc_vector_subcore>, window_params = [{transform_indices = #map}, {transform_indices = #map1}]} {
    %mul3A = arith.constant 16 : i32
    %mul3A_0 = arith.muli %arg0, %mul3A : i32
    %add3A = arith.addi %mul3A_0, %arg1 : i32
    %broadcast_in_dim3A = arith.constant 0.000000e+00 : f32
    %broadcast_in_dim3A_1 = vector.broadcast %broadcast_in_dim3A : f32 to vector<16xf32>
    %broadcast_in_dim3A_2 = arith.constant 1.000000e+00 : f32
    %broadcast_in_dim3A_3 = vector.broadcast %broadcast_in_dim3A_2 : f32 to vector<16xf32>
    %scan3A = arith.constant 0 : i32
    %scan3A_4 = arith.constant 0 : i32
    %scan3A_5 = arith.constant 40 : i32
    %scan3A_6 = arith.addi %scan3A_4, %scan3A_5 : i32
    %scan3A_7 = arith.constant 1 : i32
    scf.for %scan3A_26 = %scan3A_4 to %scan3A_6 step %scan3A_7  : i32 {
      %mul3A_27 = arith.constant 16 : i32
      %mul3A_28 = arith.muli %scan3A_26, %mul3A_27 : i32
      %swap3A = arith.index_cast %mul3A_28 : i32 to index
      %swap3A_29 = tpu.vector_load %arg5[%swap3A] {strides = array<i32>} : memref<640xf32, #tpu.memory_space<vmem>>, vector<16xf32>,
      %swap3A_30 = vector.shape_cast %swap3A_29 : vector<16xf32> to vector<16xf32>
      %swap3A_31 = vector.shape_cast %broadcast_in_dim3A_1 : vector<16xf32> to vector<16xf32>
      tpu.vector_store %arg5[%swap3A], %swap3A_31 {strides = array<i32>} : memref<640xf32, #tpu.memory_space<vmem>>, vector<16xf32>,
    }
    %scan3A_8 = arith.constant 40 : i32
    %mul3A_9 = arith.constant 640 : i32
    %mul3A_10 = arith.muli %arg1, %mul3A_9 : i32
    "tpu.region"() ({
      %run_scoped3A = tpu.sem_alloc : memref<!tpu.dma_semaphore, #tpu.memory_space<semaphore_mem>>
      %dma_start3A = tpu.memref_slice %arg6[%mul3A_10] : memref<10240xf32, #tpu.memory_space<vmem_shared>> -> memref<640xf32, #tpu.memory_space<vmem_shared>>
      %dma_start3A_26 = tpu.memref_slice %arg6[%mul3A_10] : memref<10240xf32, #tpu.memory_space<vmem_shared>> -> memref<640xf32, #tpu.memory_space<vmem_shared>>
      tpu.enqueue_dma source(%arg5 : memref<640xf32, #tpu.memory_space<vmem>>) target(%dma_start3A_26 : memref<640xf32, #tpu.memory_space<vmem_shared>>) target_semaphore(%run_scoped3A : memref<!tpu.dma_semaphore, #tpu.memory_space<semaphore_mem>>)
      %dma_wait3A = tpu.memref_slice %arg6[%mul3A_10] : memref<10240xf32, #tpu.memory_space<vmem_shared>> -> memref<640xf32, #tpu.memory_space<vmem_shared>>
      %dma_wait3A_27 = tpu.memref_slice %arg6[%mul3A_10] : memref<10240xf32, #tpu.memory_space<vmem_shared>> -> memref<640xf32, #tpu.memory_space<vmem_shared>>
      tpu.wait_dma2 semaphore(%run_scoped3A : memref<!tpu.dma_semaphore, #tpu.memory_space<semaphore_mem>>) src(%arg5 : memref<640xf32, #tpu.memory_space<vmem>>) dst(%dma_wait3A_27 : memref<640xf32, #tpu.memory_space<vmem_shared>>)
      tpu.yield
    }) : () -> ()
    %scan3A_11 = arith.constant 0 : i32
    %scan3A_12 = arith.constant 0 : i32
    %scan3A_13 = arith.constant 8 : i32
    %scan3A_14 = arith.addi %scan3A_12, %scan3A_13 : i32
    %scan3A_15 = arith.constant 1 : i32
    scf.for %scan3A_26 = %scan3A_12 to %scan3A_14 step %scan3A_15  : i32 {
      %mul3A_27 = arith.constant 16 : i32
      %mul3A_28 = arith.muli %scan3A_26, %mul3A_27 : i32
      %swap3A = arith.index_cast %mul3A_28 : i32 to index
      %swap3A_29 = tpu.vector_load %arg5[%swap3A] {strides = array<i32>} : memref<640xf32, #tpu.memory_space<vmem>>, vector<16xf32>,
      %swap3A_30 = vector.shape_cast %swap3A_29 : vector<16xf32> to vector<16xf32>
      %swap3A_31 = vector.shape_cast %broadcast_in_dim3A_3 : vector<16xf32> to vector<16xf32>
      tpu.vector_store %arg5[%swap3A], %swap3A_31 {strides = array<i32>} : memref<640xf32, #tpu.memory_space<vmem>>, vector<16xf32>,
    }
    %scan3A_16 = arith.constant 8 : i32
    "tpu.region"() ({
      %run_scoped3A = tpu.sem_alloc : memref<!tpu.dma_semaphore, #tpu.memory_space<semaphore_mem>>
      %dma_start3A = arith.constant 0 : i32
      %dma_start3A_26 = arith.constant 0 : i32
      %dma_start3A_27 = tpu.memref_slice %arg2[%add3A, %dma_start3A, %dma_start3A_26] : memref<32x80x128xi32, #tpu.memory_space<hbm>> -> memref<1x80x128xi32, #tpu.memory_space<hbm>>
      %dma_start3A_28 = tpu.memref_squeeze %dma_start3A_27 : memref<1x80x128xi32, #tpu.memory_space<hbm>> -> memref<80x128xi32, #tpu.memory_space<hbm>>
      %dma_start3A_29 = arith.constant 0 : i32
      %dma_start3A_30 = arith.constant 0 : i32
      %dma_start3A_31 = tpu.memref_slice %arg2[%add3A, %dma_start3A_29, %dma_start3A_30] : memref<32x80x128xi32, #tpu.memory_space<hbm>> -> memref<1x80x128xi32, #tpu.memory_space<hbm>>
      %dma_start3A_32 = tpu.memref_squeeze %dma_start3A_31 : memref<1x80x128xi32, #tpu.memory_space<hbm>> -> memref<80x128xi32, #tpu.memory_space<hbm>>
      tpu.enqueue_dma source(%dma_start3A_32 : memref<80x128xi32, #tpu.memory_space<hbm>>) target(%arg4 : memref<80x128xi32, #tpu.memory_space<vmem>>) target_semaphore(%run_scoped3A : memref<!tpu.dma_semaphore, #tpu.memory_space<semaphore_mem>>)
      %dma_wait3A = arith.constant 0 : i32
      %dma_wait3A_33 = arith.constant 0 : i32
      %dma_wait3A_34 = tpu.memref_slice %arg2[%add3A, %dma_wait3A, %dma_wait3A_33] : memref<32x80x128xi32, #tpu.memory_space<hbm>> -> memref<1x80x128xi32, #tpu.memory_space<hbm>>
      %dma_wait3A_35 = tpu.memref_squeeze %dma_wait3A_34 : memref<1x80x128xi32, #tpu.memory_space<hbm>> -> memref<80x128xi32, #tpu.memory_space<hbm>>
      %dma_wait3A_36 = arith.constant 0 : i32
      %dma_wait3A_37 = arith.constant 0 : i32
      %dma_wait3A_38 = tpu.memref_slice %arg2[%add3A, %dma_wait3A_36, %dma_wait3A_37] : memref<32x80x128xi32, #tpu.memory_space<hbm>> -> memref<1x80x128xi32, #tpu.memory_space<hbm>>
      %dma_wait3A_39 = tpu.memref_squeeze %dma_wait3A_38 : memref<1x80x128xi32, #tpu.memory_space<hbm>> -> memref<80x128xi32, #tpu.memory_space<hbm>>
      tpu.wait_dma2 semaphore(%run_scoped3A : memref<!tpu.dma_semaphore, #tpu.memory_space<semaphore_mem>>) src(%dma_wait3A_39 : memref<80x128xi32, #tpu.memory_space<hbm>>) dst(%arg4 : memref<80x128xi32, #tpu.memory_space<vmem>>)
      tpu.yield
    }) : () -> ()
    %barrier3A = arith.constant 0 : index
    tpu.barrier barrier_id(%barrier3A)
    %scan3A_17 = arith.constant 0 : i32
    %scan3A_18 = arith.constant 0 : i32
    %scan3A_19 = arith.constant 80 : i32
    %scan3A_20 = arith.addi %scan3A_18, %scan3A_19 : i32
    %scan3A_21 = arith.constant 1 : i32
    scf.for %scan3A_26 = %scan3A_18 to %scan3A_20 step %scan3A_21  : i32 {
      "tpu.region"() ({
        %run_scoped3A = tpu.sem_alloc : memref<!tpu.dma_semaphore, #tpu.memory_space<semaphore_mem>>
        %dma_start3A = arith.constant 0 : i32
        %dma_start3A_27 = tpu.memref_slice %arg5[%dma_start3A] : memref<640xf32, #tpu.memory_space<vmem>> -> memref<128xf32, #tpu.memory_space<vmem>>
        %dma_start3A_28 = arith.constant 0 : i32
        %dma_start3A_29 = tpu.memref_slice %arg4[%scan3A_26, %dma_start3A_28] : memref<80x128xi32, #tpu.memory_space<vmem>> -> memref<1x128xi32, #tpu.memory_space<vmem>>
        %dma_start3A_30 = tpu.memref_squeeze %dma_start3A_29 : memref<1x128xi32, #tpu.memory_space<vmem>> -> memref<128xi32, #tpu.memory_space<vmem>>
        %dma_start3A_31 = arith.constant 0 : i32
        %dma_start3A_32 = tpu.memref_slice %arg6[%dma_start3A_31] : memref<10240xf32, #tpu.memory_space<vmem_shared>> -> memref<10240xf32, #tpu.memory_space<vmem_shared>>
        tpu.enqueue_indirect_dma source(%dma_start3A_27 : memref<128xf32, #tpu.memory_space<vmem>>) target(%dma_start3A_32 : memref<10240xf32, #tpu.memory_space<vmem_shared>>) offsets(%dma_start3A_30 : memref<128xi32, #tpu.memory_space<vmem>>) semaphore(%run_scoped3A : memref<!tpu.dma_semaphore, #tpu.memory_space<semaphore_mem>>) {add = true}
        %dma_wait3A = arith.constant 0 : i32
        %dma_wait3A_33 = tpu.memref_slice %arg5[%dma_wait3A] : memref<640xf32, #tpu.memory_space<vmem>> -> memref<128xf32, #tpu.memory_space<vmem>>
        %dma_wait3A_34 = arith.constant 0 : i32
        %dma_wait3A_35 = tpu.memref_slice %arg4[%scan3A_26, %dma_wait3A_34] : memref<80x128xi32, #tpu.memory_space<vmem>> -> memref<1x128xi32, #tpu.memory_space<vmem>>
        %dma_wait3A_36 = tpu.memref_squeeze %dma_wait3A_35 : memref<1x128xi32, #tpu.memory_space<vmem>> -> memref<128xi32, #tpu.memory_space<vmem>>
        %dma_wait3A_37 = arith.constant 0 : i32
        %dma_wait3A_38 = tpu.memref_slice %arg6[%dma_wait3A_37] : memref<10240xf32, #tpu.memory_space<vmem_shared>> -> memref<10240xf32, #tpu.memory_space<vmem_shared>>
        tpu.wait_indirect_dma semaphore(%run_scoped3A : memref<!tpu.dma_semaphore, #tpu.memory_space<semaphore_mem>>) src(%dma_wait3A_33 : memref<128xf32, #tpu.memory_space<vmem>>) dst(%dma_wait3A_38 : memref<10240xf32, #tpu.memory_space<vmem_shared>>)
        tpu.yield
      }) : () -> ()
    }
    %scan3A_22 = arith.constant 80 : i32
    %barrier3A_23 = arith.constant 0 : index
    tpu.barrier barrier_id(%barrier3A_23)
    %mul3A_24 = arith.constant 640 : i32
    %mul3A_25 = arith.muli %arg1, %mul3A_24 : i32
    "tpu.region"() ({
      %run_scoped3A = tpu.sem_alloc : memref<!tpu.dma_semaphore, #tpu.memory_space<semaphore_mem>>
      %dma_start3A = tpu.memref_slice %arg3[%arg0, %mul3A_25] : memref<2x10240xf32, #tpu.memory_space<hbm>> -> memref<1x640xf32, #tpu.memory_space<hbm>>
      %dma_start3A_26 = tpu.memref_squeeze %dma_start3A : memref<1x640xf32, #tpu.memory_space<hbm>> -> memref<640xf32, #tpu.memory_space<hbm>>
      %dma_start3A_27 = tpu.memref_slice %arg6[%mul3A_25] : memref<10240xf32, #tpu.memory_space<vmem_shared>> -> memref<640xf32, #tpu.memory_space<vmem_shared>>
      tpu.enqueue_dma source(%dma_start3A_27 : memref<640xf32, #tpu.memory_space<vmem_shared>>) target(%dma_start3A_26 : memref<640xf32, #tpu.memory_space<hbm>>) target_semaphore(%run_scoped3A : memref<!tpu.dma_semaphore, #tpu.memory_space<semaphore_mem>>)
      %dma_wait3A = tpu.memref_slice %arg3[%arg0, %mul3A_25] : memref<2x10240xf32, #tpu.memory_space<hbm>> -> memref<1x640xf32, #tpu.memory_space<hbm>>
      %dma_wait3A_28 = tpu.memref_squeeze %dma_wait3A : memref<1x640xf32, #tpu.memory_space<hbm>> -> memref<640xf32, #tpu.memory_space<hbm>>
      %dma_wait3A_29 = tpu.memref_slice %arg6[%mul3A_25] : memref<10240xf32, #tpu.memory_space<vmem_shared>> -> memref<640xf32, #tpu.memory_space<vmem_shared>>
      tpu.wait_dma2 semaphore(%run_scoped3A : memref<!tpu.dma_semaphore, #tpu.memory_space<semaphore_mem>>) src(%dma_wait3A_29 : memref<640xf32, #tpu.memory_space<vmem_shared>>) dst(%dma_wait3A_28 : memref<640xf32, #tpu.memory_space<hbm>>)
      tpu.yield
    }) : () -> ()
    return
  }
}

module attributes {stable_mosaic.version = 14 : i64} {
  func.func @_mm_body(%arg0: i32, %arg1: memref<1000x128xf32, #tpu.memory_space<vmem>>, %arg2: memref<128x128xf32, #tpu.memory_space<vmem>>, %arg3: memref<1000x128xf32, #tpu.memory_space<vmem>>) attributes {dimension_semantics = [#tpu.dimension_semantics<arbitrary>], iteration_bounds = array<i64: 10>, scalar_prefetch = 0 : i64, scratch_operands = 0 : i64, tpu.core_type = #tpu.core_type<tc>, window_params = [{transform_indices = @transform_0, window_bounds = array<i64: 1000, 128>}, {pipeline_mode = #tpu.pipeline_mode<synchronous>, transform_indices = @transform_1, window_bounds = array<i64: 128, 128>}, {transform_indices = @transform_2, window_bounds = array<i64: 1000, 128>}]} {
    %get3A = arith.constant 0 : index
    %get3A_0 = arith.constant 0 : index
    %get3A_1 = vector.load %arg1[%get3A, %get3A_0] : memref<1000x128xf32, #tpu.memory_space<vmem>>, vector<1000x128xf32>
    %get3A_2 = arith.constant 0 : index
    %get3A_3 = arith.constant 0 : index
    %get3A_4 = vector.load %arg2[%get3A_2, %get3A_3] : memref<128x128xf32, #tpu.memory_space<vmem>>, vector<128x128xf32>
    %dot_general3A = arith.constant dense<0.000000e+00> : vector<1000x128xf32>
    %dot_general3A_5 = tpu.matmul %get3A_1, %get3A_4, %dot_general3A {dimension_numbers = #tpu.dot_dimension_numbers<[1], [0], [0], [1], [0, 0, 1, 1], [], []>, transpose_lhs_hint = false} : vector<1000x128xf32>, vector<128x128xf32>, vector<1000x128xf32> -> vector<1000x128xf32>
    %swap3A = arith.constant 0 : index
    %swap3A_6 = arith.constant 0 : index
    %swap3A_7 = vector.load %arg3[%swap3A, %swap3A_6] : memref<1000x128xf32, #tpu.memory_space<vmem>>, vector<1000x128xf32>
    tpu.vector_store %arg3[%swap3A, %swap3A_6], %dot_general3A_5 {strides = array<i32>} : memref<1000x128xf32, #tpu.memory_space<vmem>>, vector<1000x128xf32>,
    return
  }
  func.func @transform_0(%arg0: i32) -> (i32, i32) {
    %c0_i32 = arith.constant 0 : i32
    %c0_i32_0 = arith.constant 0 : i32
    return %arg0, %c0_i32 : i32, i32
  }
  func.func @transform_1(%arg0: i32) -> (i32, i32) {
    %c0_i32 = arith.constant 0 : i32
    %c0_i32_0 = arith.constant 0 : i32
    %c0_i32_1 = arith.constant 0 : i32
    return %c0_i32, %c0_i32_0 : i32, i32
  }
  func.func @transform_2(%arg0: i32) -> (i32, i32) {
    %c0_i32 = arith.constant 0 : i32
    %c0_i32_0 = arith.constant 0 : i32
    return %arg0, %c0_i32 : i32, i32
  }
}

module attributes {stable_mosaic.version = 14 : i64} {
  func.func @_scale_body(%arg0: i32, %arg1: memref<2x1000x1xf32, #tpu.memory_space<vmem>>, %arg2: memref<1000x128xf32, #tpu.memory_space<vmem>>, %arg3: memref<1000x128xf32, #tpu.memory_space<vmem>>) attributes {dimension_semantics = [#tpu.dimension_semantics<arbitrary>], iteration_bounds = array<i64: 10>, scalar_prefetch = 0 : i64, scratch_operands = 0 : i64, tpu.core_type = #tpu.core_type<tc>, window_params = [{transform_indices = @transform_0, window_bounds = array<i64: 2, 1000, 1>}, {transform_indices = @transform_1, window_bounds = array<i64: 1000, 128>}, {transform_indices = @transform_2, window_bounds = array<i64: 1000, 128>}]} {
    %get3A = arith.constant 0 : index
    %get3A_0 = arith.constant 0 : index
    %get3A_1 = vector.load %arg2[%get3A, %get3A_0] : memref<1000x128xf32, #tpu.memory_space<vmem>>, vector<1000x128xf32>
    %get3A_2 = arith.constant 0 : index
    %get3A_3 = arith.constant 0 : index
    %get3A_4 = arith.constant 0 : index
    %get3A_5 = vector.load %arg1[%get3A_2, %get3A_3, %get3A_4] : memref<2x1000x1xf32, #tpu.memory_space<vmem>>, vector<1x1000x1xf32>
    %get3A_6 = vector.shape_cast %get3A_5 : vector<1x1000x1xf32> to vector<1000x1xf32>
    %get3A_7 = arith.constant 1 : index
    %get3A_8 = arith.constant 0 : index
    %get3A_9 = arith.constant 0 : index
    %get3A_10 = vector.load %arg1[%get3A_7, %get3A_8, %get3A_9] : memref<2x1000x1xf32, #tpu.memory_space<vmem>>, vector<1x1000x1xf32>
    %get3A_11 = vector.shape_cast %get3A_10 : vector<1x1000x1xf32> to vector<1000x1xf32>
    %add3A = arith.addf %get3A_6, %get3A_11 : vector<1000x1xf32>
    %add3A_12 = arith.constant 1.000000e+00 : f32
    %add3A_13 = vector.broadcast %add3A_12 : f32 to vector<1000x1xf32>
    %add3A_14 = arith.addf %add3A, %add3A_13 : vector<1000x1xf32>
    %rsqrt3A = math.rsqrt %add3A_14 : vector<1000x1xf32>
    %mul3A = vector.broadcast %rsqrt3A : vector<1000x1xf32> to vector<1000x128xf32>
    %mul3A_15 = arith.mulf %get3A_1, %mul3A : vector<1000x128xf32>
    %swap3A = arith.constant 0 : index
    %swap3A_16 = arith.constant 0 : index
    %swap3A_17 = vector.load %arg3[%swap3A, %swap3A_16] : memref<1000x128xf32, #tpu.memory_space<vmem>>, vector<1000x128xf32>
    tpu.vector_store %arg3[%swap3A, %swap3A_16], %mul3A_15 {strides = array<i32>} : memref<1000x128xf32, #tpu.memory_space<vmem>>, vector<1000x128xf32>,
    return
  }
  func.func @transform_0(%arg0: i32) -> (i32, i32, i32) {
    %c0_i32 = arith.constant 0 : i32
    %c0_i32_0 = arith.constant 0 : i32
    %c0_i32_1 = arith.constant 0 : i32
    return %c0_i32, %arg0, %c0_i32_0 : i32, i32, i32
  }
  func.func @transform_1(%arg0: i32) -> (i32, i32) {
    %c0_i32 = arith.constant 0 : i32
    %c0_i32_0 = arith.constant 0 : i32
    return %arg0, %c0_i32 : i32, i32
  }
  func.func @transform_2(%arg0: i32) -> (i32, i32) {
    %c0_i32 = arith.constant 0 : i32
    %c0_i32_0 = arith.constant 0 : i32
    return %arg0, %c0_i32 : i32, i32
  }
}

module attributes {stable_mosaic.version = 14 : i64} {
  func.func @_final_body(%arg0: i32, %arg1: memref<2x1000x1xf32, #tpu.memory_space<vmem>>, %arg2: memref<2x1000x128xf32, #tpu.memory_space<vmem>>, %arg3: memref<1000x128xf32, #tpu.memory_space<vmem>>, %arg4: memref<1000x128xf32, #tpu.memory_space<vmem>>) attributes {dimension_semantics = [#tpu.dimension_semantics<arbitrary>], iteration_bounds = array<i64: 10>, scalar_prefetch = 0 : i64, scratch_operands = 0 : i64, tpu.core_type = #tpu.core_type<tc>, window_params = [{transform_indices = @transform_0, window_bounds = array<i64: 2, 1000, 1>}, {transform_indices = @transform_1, window_bounds = array<i64: 2, 1000, 128>}, {transform_indices = @transform_2, window_bounds = array<i64: 1000, 128>}, {transform_indices = @transform_3, window_bounds = array<i64: 1000, 128>}]} {
    %get3A = arith.constant 0 : index
    %get3A_0 = arith.constant 0 : index
    %get3A_1 = arith.constant 0 : index
    %get3A_2 = vector.load %arg2[%get3A, %get3A_0, %get3A_1] : memref<2x1000x128xf32, #tpu.memory_space<vmem>>, vector<1x1000x128xf32>
    %get3A_3 = vector.shape_cast %get3A_2 : vector<1x1000x128xf32> to vector<1000x128xf32>
    %get3A_4 = arith.constant 1 : index
    %get3A_5 = arith.constant 0 : index
    %get3A_6 = arith.constant 0 : index
    %get3A_7 = vector.load %arg2[%get3A_4, %get3A_5, %get3A_6] : memref<2x1000x128xf32, #tpu.memory_space<vmem>>, vector<1x1000x128xf32>
    %get3A_8 = vector.shape_cast %get3A_7 : vector<1x1000x128xf32> to vector<1000x128xf32>
    %add3A = arith.addf %get3A_3, %get3A_8 : vector<1000x128xf32>
    %get3A_9 = arith.constant 0 : index
    %get3A_10 = arith.constant 0 : index
    %get3A_11 = vector.load %arg3[%get3A_9, %get3A_10] : memref<1000x128xf32, #tpu.memory_space<vmem>>, vector<1000x128xf32>
    %add3A_12 = arith.addf %add3A, %get3A_11 : vector<1000x128xf32>
    %get3A_13 = arith.constant 0 : index
    %get3A_14 = arith.constant 0 : index
    %get3A_15 = arith.constant 0 : index
    %get3A_16 = vector.load %arg1[%get3A_13, %get3A_14, %get3A_15] : memref<2x1000x1xf32, #tpu.memory_space<vmem>>, vector<1x1000x1xf32>
    %get3A_17 = vector.shape_cast %get3A_16 : vector<1x1000x1xf32> to vector<1000x1xf32>
    %get3A_18 = arith.constant 1 : index
    %get3A_19 = arith.constant 0 : index
    %get3A_20 = arith.constant 0 : index
    %get3A_21 = vector.load %arg1[%get3A_18, %get3A_19, %get3A_20] : memref<2x1000x1xf32, #tpu.memory_space<vmem>>, vector<1x1000x1xf32>
    %get3A_22 = vector.shape_cast %get3A_21 : vector<1x1000x1xf32> to vector<1000x1xf32>
    %add3A_23 = arith.addf %get3A_17, %get3A_22 : vector<1000x1xf32>
    %add3A_24 = arith.constant 1.000000e+00 : f32
    %add3A_25 = vector.broadcast %add3A_24 : f32 to vector<1000x1xf32>
    %add3A_26 = arith.addf %add3A_23, %add3A_25 : vector<1000x1xf32>
    %rsqrt3A = math.rsqrt %add3A_26 : vector<1000x1xf32>
    %mul3A = vector.broadcast %rsqrt3A : vector<1000x1xf32> to vector<1000x128xf32>
    %mul3A_27 = arith.mulf %add3A_12, %mul3A : vector<1000x128xf32>
    %swap3A = arith.constant 0 : index
    %swap3A_28 = arith.constant 0 : index
    %swap3A_29 = vector.load %arg4[%swap3A, %swap3A_28] : memref<1000x128xf32, #tpu.memory_space<vmem>>, vector<1000x128xf32>
    tpu.vector_store %arg4[%swap3A, %swap3A_28], %mul3A_27 {strides = array<i32>} : memref<1000x128xf32, #tpu.memory_space<vmem>>, vector<1000x128xf32>,
    return
  }
  func.func @transform_0(%arg0: i32) -> (i32, i32, i32) {
    %c0_i32 = arith.constant 0 : i32
    %c0_i32_0 = arith.constant 0 : i32
    %c0_i32_1 = arith.constant 0 : i32
    return %c0_i32, %arg0, %c0_i32_0 : i32, i32, i32
  }
  func.func @transform_1(%arg0: i32) -> (i32, i32, i32) {
    %c0_i32 = arith.constant 0 : i32
    %c0_i32_0 = arith.constant 0 : i32
    %c0_i32_1 = arith.constant 0 : i32
    return %c0_i32, %arg0, %c0_i32_0 : i32, i32, i32
  }
  func.func @transform_2(%arg0: i32) -> (i32, i32) {
    %c0_i32 = arith.constant 0 : i32
    %c0_i32_0 = arith.constant 0 : i32
    return %arg0, %c0_i32 : i32, i32
  }
  func.func @transform_3(%arg0: i32) -> (i32, i32) {
    %c0_i32 = arith.constant 0 : i32
    %c0_i32_0 = arith.constant 0 : i32
    return %arg0, %c0_i32 : i32, i32
  }
}

</mosaic_0001>

<sc_bundles>
// kernel: kernel.10.cloned.1.call-start
scs
__scs_entry_jumppad:
0x0: {  	(pc) =	sbr.rel $0x88, $3  }
0x1: {  	(tag) =	ssettag $0x0;
	lr =	simm.s32 $0x1  }
0x2: {  	[smem:$0x3F9E] =	sst lr;
	_ =	strace $0xD0000000  }
0x3: {  	_ = 	snop  }
0x4: {  	_ = 	snop  }
0x5: {  	_ = 	snop  }
0x6: {  	_ = 	snop  }
0x7: {  	_ = 	snop  }
__scs_overlays_trampoline_lowered:
0x8: {  	[smem:$0x3FAD] =	sst s0  }
0x9: {  	[smem:$0x3FAE] =	sst s1  }
0xa: {  	[smem:$0x3FAF] =	sst s2  }
0xb: {  	[smem:$0x3FB0] =	sst s3  }
0xc: {  	[smem:$0x3FB1] =	sst s4  }
0xd: {  	[smem:$0x3FB2] =	sst s5  }
0xe: {  	[smem:$0x3FB3] =	sst s6  }
0xf: {  	[smem:$0x3FB4] =	sst s7  }
0x10: {  	[smem:$0x3FB5] =	sst s8  }
0x11: {  	[smem:$0x3FB6] =	sst s9;
	s0 =	simm.s32 @!p0 $0x0  }
0x12: {  	s1 =	sld [smem:$0x3F9C];
	s0 =	simm.s32 @p0 $0x1  }
0x13: {  	[smem:$0x3FB7] =	sst s0;
	s0 =	simm.s32 @!p1 $0x0  }
0x14: {  	s2 =	sld [smem:$0x3F9B];
	s0 =	simm.s32 @p1 $0x1  }
0x15: {  	[smem:$0x3FB8] =	sst s0;
	s0 =	simm.s32 @!p2 $0x0  }
0x16: {  	s3 =	sld [smem:$0x3FDB];
	s0 =	simm.s32 @p2 $0x1  }
0x17: {  	s4 =	simm.s32 $0x1BF5;
	[smem:$0x3FBA] =	sst s0  }
0x18: {  	s0 =	sld [smem:$0x3F9D];
	_ =	swait.ge [sflag:s4], $0x0  }
0x19: {  	s7 =	sld [smem:$0x3F9E]  }
0x1a: {  	s8 =	sadd.s32 $0xFFFFE003, lr  }
0x1b: {  	s9 =	sadd.s32 $0xFFFFFEF7, lr;
	s5 =	simm.s32 $0xFFFFFFFF;
	p2 =	slt.u32 s8, $0xFFFFF086  }
0x1c: {  	p1 =	slt.u32 s9, $0xF7A;
	s5 =	simm.s32 @!p2 $0x0  }
0x1d: {  	s5 =	simm.s32 @p1 $0x1;
	p0 =	seq.s32 s7, s2  }
0x1e: {  	s7 =	smul.u32 @!p0 $0xF7A, s2;
	p2 =	seq.s32 @!p0 s5, $0x0  }
0x1f: {  	s9 =	smul.u32 $0xF7A, s1;
	s8 =	simm.s32 @!p0 $0x1BF5;
	p2 =	por !p2, p0  }
0x20: {  	[sflag:s8] =	ssyncset.s32 @!p0 $0xFFFFF086;
	s6 =	sadd.s32 @!p0 s3, s7;
	s7 =	simm.s32 @!p0 $0x108  }
0x21: {  	s3 =	sadd.s32 s3, s9;
	s6 =	sadd.s32 @!p0 $0x88, s6;
	s7 =	simm.s32 @p2 $0x1082  }
0x22: {  	[simem:s7], [sflag:s8] =	dma.local @!p0 [hbm:s6], $0xF7A  }
0x23: {  	s9 =	sor.u32 $0xD0000000, s2;
	s6 =	simm.s32 $0x108;
	_ =	swait.ge @!p0 [sflag:s8], $0x0  }
0x24: {  	s3 =	sadd.s32 $0x88, s3;
	s6 =	simm.s32 @!p1 $0x1082;
	[sflag:s4] =	ssyncset.s32 $0xFFFFF086  }
0x25: {  	[simem:s6], [sflag:s4] =	dma.local [hbm:s3], $0xF7A  }
0x26: {  	[smem:$0x3F9E] =	sst s1;
	(tag) =	ssettag s2;
	_ =	strace s9  }
0x27: {  	s1 =	sld [smem:$0x3FAE]  }
0x28: {  	s2 =	sld [smem:$0x3FAF]  }
0x29: {  	s4 =	sld [smem:$0x3FB1]  }
0x2a: {  	p0 =	seq.s32 s5, $0x0;
	s5 =	sld [smem:$0x3FB2]  }
0x2b: {  	s6 =	sld [smem:$0x3FB3]  }
0x2c: {  	s7 =	sld [smem:$0x3FB4]  }
0x2d: {  	s3 =	simm.s32 $0x108;
	s8 =	sld [smem:$0x3FB5]  }
0x2e: {  	s3 =	simm.s32 @!p0 $0x1082;
	s9 =	sld [smem:$0x3FB6]  }
0x2f: {  	lr =	sadd.s32 s0, s3;
	s0 =	sld [smem:$0x3FAD]  }
0x30: {  	s3 =	sld [smem:$0x3FB0]  }
0x31: {  	[smem:$0x3FB9] =	sst s10  }
0x32: {  	s10 =	sld [smem:$0x3FB7];
	_ =	sdelay $0x3  }
0x33: {  	p0 =	seq.s32 s10, $0x1;
	s10 =	sld [smem:$0x3FB9];
	_ =	sdelay $0x3  }
0x34: {  	[smem:$0x3FB9] =	sst s10  }
0x35: {  	s10 =	sld [smem:$0x3FB8];
	_ =	sdelay $0x3  }
0x36: {  	p1 =	seq.s32 s10, $0x1;
	s10 =	sld [smem:$0x3FB9];
	_ =	sdelay $0x3  }
0x37: {  	[smem:$0x3FB9] =	sst s10  }
0x38: {  	s10 =	sld [smem:$0x3FBA]  }
0x39: {  	_ = 	snop;
	(pc) =	sbr.ind lr, $3  }
0x3a: {  	_ = 	snop  }
0x3b: {  	_ = 	snop  }
0x3c: {  	p2 =	seq.s32 s10, $0x1;
	s10 =	sld [smem:$0x3FB9]  }
0x3d: {  	_ =	shalt  }
0x3e: {  	_ =	shalt  }
0x3f: {  	_ =	shalt  }
0x40: {  	_ =	shalt  }
0x41: {  	_ =	shalt  }
0x42: {  	_ =	shalt  }
0x43: {  	_ =	shalt  }
0x44: {  	_ =	shalt  }
0x45: {  	_ =	shalt  }
0x46: {  	_ =	shalt  }
0x47: {  	_ =	shalt  }
0x48: {  	_ =	shalt  }
0x49: {  	_ =	shalt  }
0x4a: {  	_ =	shalt  }
0x4b: {  	_ =	shalt  }
0x4c: {  	_ =	shalt  }
0x4d: {  	_ =	shalt  }
0x4e: {  	_ =	shalt  }
0x4f: {  	_ =	shalt  }
0x50: {  	_ =	shalt  }
0x51: {  	_ =	shalt  }
0x52: {  	_ =	shalt  }
0x53: {  	_ =	shalt  }
0x54: {  	_ =	shalt  }
0x55: {  	_ =	shalt  }
0x56: {  	_ =	shalt  }
0x57: {  	_ =	shalt  }
0x58: {  	_ =	shalt  }
0x59: {  	_ =	shalt  }
0x5a: {  	_ =	shalt  }
0x5b: {  	_ =	shalt  }
0x5c: {  	_ =	shalt  }
0x5d: {  	_ =	shalt  }
0x5e: {  	_ =	shalt  }
0x5f: {  	_ =	shalt  }
0x60: {  	_ =	shalt  }
0x61: {  	_ =	shalt  }
0x62: {  	_ =	shalt  }
0x63: {  	_ =	shalt  }
0x64: {  	_ =	shalt  }
0x65: {  	_ =	shalt  }
0x66: {  	_ =	shalt  }
0x67: {  	_ =	shalt  }
0x68: {  	_ =	shalt  }
0x69: {  	_ =	shalt  }
0x6a: {  	_ =	shalt  }
0x6b: {  	_ =	shalt  }
0x6c: {  	_ =	shalt  }
0x6d: {  	_ =	shalt  }
0x6e: {  	_ =	shalt  }
0x6f: {  	_ =	shalt  }
0x70: {  	_ =	shalt  }
0x71: {  	_ =	shalt  }
0x72: {  	_ =	shalt  }
0x73: {  	_ =	shalt  }
0x74: {  	_ =	shalt  }
0x75: {  	_ =	shalt  }
0x76: {  	_ =	shalt  }
0x77: {  	_ =	shalt  }
0x78: {  	_ =	shalt  }
0x79: {  	_ =	shalt  }
0x7a: {  	_ =	shalt  }
0x7b: {  	_ =	shalt  }
0x7c: {  	_ =	shalt  }
0x7d: {  	_ =	shalt  }
0x7e: {  	_ =	shalt  }
0x7f: {  	_ =	shalt  }
0x80: {  	_ =	shalt  }
0x81: {  	_ =	shalt  }
0x82: {  	_ =	shalt  }
0x83: {  	_ =	shalt  }
0x84: {  	_ =	shalt  }
0x85: {  	_ =	shalt  }
0x86: {  	_ =	shalt  }
0x87: {  	_ =	shalt  }
.Lfunc_end0:
.L_simem_size_0:
called_computation.1_lowered:
.L_overlay_start_0:
0x88: {  	s2 =	sld [smem:$0x3FD9]  }
0x89: {  	s3 =	sld [smem:$0x3FFE];
	_ =	sdelay $0x1  }
0x8a: {  	s1 =	srdreg.scid  }
0x8b: {  	s0 =	sand.u32 $0x1, s1  }
0x8c: {  	s17 =	sshll.u32 s0, $0xA;
	s2 =	sadd.s32 s3, s2  }
0x8d: {  	s2 =	sadd.s32 s2, s17  }
0x8e: {  	[smem:$0x3FC5] =	sst s2  }
0x8f: {  	_ = 	snop  }
0x90: {  	s2 =	sld [smem:$0x3FD0];
	(tm) =	ssettm $0x1  }
0x91: {  	s18 =	sld [smem:$0x3FFB];
	_ =	sdelay $0x3  }
0x92: {  	_ =	strace s18  }
0x93: {  	s3 =	sld [smem:$0x3FFC];
	_ =	sdelay $0x3  }
0x94: {  	_ =	strace s3  }
0x95: {  	s3 =	sld [smem:$0x3FFD];
	_ =	sdelay $0x3  }
0x96: {  	_ =	strace s3  }
0x97: {  	_ =	strace $0x8FFFFFFF  }
0x98: {  	s19 =	sld [smem:$0x3FDB];
	_ =	sdelay $0x1  }
0x99: {  	s4 =	simm.s32 $_scs_section_size  }
0x9a: {  	s5 =	simm.s32 $_size__tile_overlayer_lowered;
	s6 =	simm.s32 $_tile_overlayer_lowered  }
0x9b: {  	s22 =	simm.s32 $0x1BFF;
	s21 =	sshll.u32 s6, $0x1;
	s3 =	sadd.s32 s4, s19  }
0x9c: {  	s7 =	simm.s32 $0x0;
	s20 =	sshll.u32 s5, $0x1;
	s5 =	sadd.s32 s21, s3  }
0x9d: {  	[timem:s7], [sflag:s22] =	dma.local [hbm:s5], s20  }
0x9e: {  	_ =	swait.ge [sflag:s22], s20  }
0x9f: {  	s4 =	ssub.s32 $0x0, s20;
	[sflag:s22] =	ssyncset.done $0x0  }
0xa0: {  	[sflag:s22] =	ssyncadd.s32 s4;
	_ =	sdelay $0x1  }
0xa1: {  	s23 =	simm.s32 $0x1B8B  }
0xa2: {  	_ =	swait.ge [sflag:s23], $0x1  }
0xa3: {  	[sflag:s23] =	ssyncset.done $0x0  }
0xa4: {  	s25 =	simm.s32 $0x1B8E;
	s24 =	sld [smem:$0x3FFE];
	[sflag:s23] =	ssyncadd.s32 $0xFFFFFFFF  }
0xa5: {  	s26 =	simm.s32 $execute0_lowered;
	[smem:$0x3FD2] =	sst s25  }
0xa6: {  	s5 =	sshll.u32 s26, $0x1;
	_ =	strace $0x80000049;
	[dreg:$0x1] =	wrdreg $0xFFFFFFFF  }
0xa7: {  	s28 =	simm.s32 $_size_execute0_lowered;
	s3 =	sadd.s32 s3, s5;
	[dreg:$0x0] =	wrdreg $0x0  }
0xa8: {  	s5 =	sshll.u32 s28, $0x1;
	[dreg:$0x2] =	wrdreg s3  }
0xa9: {  	[dreg:$0x3] =	wrdreg s5  }
0xaa: {  	[dreg:$0x4] =	wrdreg $0xC0  }
0xab: {  	_ =	task [dreg:s7], $0x5FFFF  }
0xac: {  	[dreg:$0x1] =	wrdreg $0xFFFFFFFF  }
0xad: {  	[dreg:$0x0] =	wrdreg $0x60  }
0xae: {  	[dreg:$0x2] =	wrdreg s2  }
0xaf: {  	[dreg:$0x3] =	wrdreg s24  }
0xb0: {  	[dreg:$0x4] =	wrdreg $0x88000  }
0xb1: {  	[dreg:$0x5] =	wrdreg $0x9  }
0xb2: {  	_ =	task.clear_ibuf [dreg:s7], $0x6FFFF;
	_ =	strace $0x90000049  }
0xb3: {  	s29 =	simm.s32 $0x9;
	_ =	strace $0x8000004B  }
0xb4: {  	_ =	swait.ge [sflag:s29], $0x1  }
0xb5: {  	[sflag:s29] =	ssyncadd.s32 $0xFFFFFFFF  }
0xb6: {  	_ =	strace $0x9000004B  }
0xb7: {  	_ =	sfence  }
0xb8: {  	s30 =	sld [smem:$0x0];
	_ =	sdelay $0x2  }
0xb9: {  	s31 =	sshll.u32 s1, $0xD;
	s1 =	sshrl.u32 s1, $0x2  }
0xba: {  	s3 =	sand.u32 $0x4000, s31;
	s1 =	sadd.s32 s1, s30  }
0xbb: {  	s0 =	sor.u32 s3, s0;
	s1 =	sshll.u32 s1, $0x11  }
0xbc: {  	s0 =	sor.u32 s1, s0  }
0xbd: {  	s0 =	sadd.s32 $0x8F2B, s0  }
0xbe: {  	[sflag:s0] =	ssyncadd.remote.s32 $0x1  }
0xbf: {  	_ =	sfence.sel $0xFFFF  }
0xc0: {  	[dreg:$0x0] =	wrdreg $0xFFFFFFFF;
	(pc) =	sbr.abs _section_cstart, $3  }
0xc1: {  	[dreg:$0x1] =	wrdreg $0xFFFFFFFF  }
0xc2: {  	_ =	task.clear_ibuf [dreg:s7], $0x2FFFF;
	_ =	strace $0x9FFFFFFF  }
0xc3: {  	(tm) =	ssettm $0x7FFFFFFF  }
tec
execute0_lowered:
.L_overlay_start_1:
0x0: {  	(tag) =	ssettag $0x1  }
0x1: {  	s1 =	rddreg [dreg:$0x0]  }
0x2: {  	s0 =	srdreg.scid;
	s5 =	rddreg [dreg:$0x1]  }
0x3: {  	s9 =	stileid.u32;
	s3 =	rddreg [dreg:$0x2];
	s4 =	simm.s32 $0x0  }
0x4: {  	s28 =	simm.s32 $0x4;
	s29 =	simm.s32 $0x180;
	s30 =	simm.s32 $0x500  }
0x5: {  	s31 =	simm.s32 $0x200;
	s13 =	simm.s32 $0x380;
	s6 =	smul.u32 $0x2800, s9  }
0x6: {  	s14 =	simm.s32 $0x700;
	s15 =	simm.s32 $0x780;
	s16 =	smul.u32 $0x50000, s9  }
0x7: {  	s0 =	sand.u32 $0x1, s0;
	[smem:$0x7FF] =	sst s4;
	s9 =	smul.u32 $0x14000, s9  }
0x8: {  	s2 =	smul.u32 $0x28000, s0;
	_ =	strace $0x8000004A;
	s7 =	ssub.s32 $0x2, s0  }
0x9: {  	s0 =	smul.u32 $0x140000, s0;
	s8 =	sshrl.u32 s7, $0x1;
	s17 =	sadd.s32 $0x4000, s9  }
0xa: {  	s18 =	sadd.s32 $0x8000, s9;
	s20 =	sadd.s32 $0xC000, s9;
	s21 =	sadd.s32 $0x10000, s9  }
0xb: {  	s2 =	sadd.s32 s6, s2;
	s6 =	sshrl.u32 s16, $0x2;
	s7 =	ssub.s32 s7, s8  }
0xc: {  	s10 =	sadd.s32 s17, s3;
	s19 =	sadd.s32 s18, s3;
	s11 =	sadd.s32 s20, s3  }
0xd: {  	s12 =	sadd.s32 s9, s0;
	s9 =	sadd.s32 s21, s3;
	s8 =	sadd.s32 s0, s18  }
0xe: {  	s23 =	sadd.s32 s0, s20;
	s18 =	simm.s32 $0x5;
	[dreg:$0x6] =	wrdreg s10  }
0xf: {  	s20 =	simm.s32 $0x80;
	s2 =	sshrl.u32 s2, $0x3;
	[dreg:$0x7] =	wrdreg s19  }
0x10: {  	s6 =	sadd.s32 s6, s3;
	[dreg:$0x8] =	wrdreg s11;
	s12 =	sshrl.u32 s12, $0x3  }
0x11: {  	s22 =	sshrl.u32 s8, $0x3;
	s24 =	sshrl.u32 s23, $0x3;
	s26 =	smax.u32 s7, $0x1  }
0x12: {  	s19 =	simm.s32 $0x400;
	s23 =	simm.s32 $0x3;
	s10 =	simm.s32 $0x600  }
0x13: {  	s11 =	simm.s32 $0x300;
	[dreg:$0x9] =	wrdreg s9;
	s2 =	sadd.s32 s2, s5  }
0x14: {  	s5 =	sadd.s32 $0x15000, s5;
	[dreg:$0x5] =	wrdreg s6;
	s6 =	sadd.s32 s0, s17  }
0x15: {  	s0 =	sadd.s32 s0, s21;
	[dreg:$0xf] =	wrdreg s26;
	s17 =	simm.s32 $0x800  }
0x16: {  	s21 =	simm.s32 $0x4800;
	s26 =	simm.s32 $0x480;
	s12 =	sadd.s32 s5, s12  }
0x17: {  	s6 =	sshrl.u32 s6, $0x3;
	s0 =	sshrl.u32 s0, $0x3;
	s25 =	sadd.s32 $0x1000, s2  }
0x18: {  	s16 =	sadd.s32 $0xB000, s2;
	s2 =	simm.s32 $0x580;
	[dreg:$0xa] =	wrdreg s12  }
0x19: {  	s6 =	sadd.s32 s5, s6;
	s0 =	sadd.s32 s5, s0;
	[dreg:$0x4] =	wrdreg s25  }
0x1a: {  	s25 =	simm.s32 $0x2;
	s12 =	simm.s32 $0x680;
	[dreg:$0xb] =	wrdreg s6  }
0x1b: {  	s6 =	sadd.s32 s5, s22;
	[dreg:$0xe] =	wrdreg s0;
	s22 =	simm.s32 $0x1  }
0x1c: {  	s0 =	simm.s32 $0x280;
	[dreg:$0xc] =	wrdreg s6;
	s6 =	sadd.s32 s5, s24  }
0x1d: {  	v0 =	vimm.f32 $0.0e+00;
	s24 =	simm.s32 $0x100;
	[dreg:$0xd] =	wrdreg s6;
	s6 =	simm.s32 $0x0  }
.LBB2_1:
0x1e: {  	[dreg:$0x10] =	wrdreg s6;
	s6 =	simm.s32 $0x0;
	s7 =	simm.s32 $0x200  }
.LBB2_2:
0x1f: {  	p0 =	sne.s32 s7, $0xFE00;
	[tilespmem:s6+$0x870] =	vst v0  }
0x20: {  	[tilespmem:s6+$0x800] =	vst v0  }
0x21: {  	[tilespmem:s6+$0x810] =	vst v0  }
.Ltmp0:
0x22: {  	[tilespmem:s6+$0x820] =	vst v0;
	(pc) =	sbr.rel @p0 .LBB2_2-.Ltmp0, $4  }
0x23: {  	[tilespmem:s6+$0x830] =	vst v0  }
0x24: {  	[tilespmem:s6+$0x840] =	vst v0  }
0x25: {  	[tilespmem:s6+$0x850] =	vst v0  }
0x26: {  	[tilespmem:s6+$0x860] =	vst v0;
	s6 =	sshra.s32 s7, $0x2;
	s7 =	sadd.s32 $0x200, s7  }
0x27: {  	[tilespmem:s6+$0x870] =	vst v0  }
0x28: {  	[tilespmem:s6+$0x800] =	vst v0  }
0x29: {  	[tilespmem:s6+$0x810] =	vst v0  }
0x2a: {  	[tilespmem:s6+$0x820] =	vst v0  }
0x2b: {  	[tilespmem:s6+$0x830] =	vst v0  }
0x2c: {  	[tilespmem:s6+$0x840] =	vst v0  }
0x2d: {  	[tilespmem:s6+$0x850] =	vst v0  }
0x2e: {  	[tilespmem:s6+$0x860] =	vst v0;
	s5 =	rddreg [dreg:$0x5]  }
0x2f: {  	[spmem:s5] =	stream.linear.scatter [tilespmem:s17], [sflag:$0x5], $0x4000, $0x38;
	[tilespmem:$0x1C800] =	vst v63  }
0x30: {  	_ =	swait.ge [sflag:s18], $0x4000  }
0x31: {  	[sflag:s18] =	ssyncset.done $0x0  }
0x32: {  	s8 =	rddreg [dreg:$0x6];
	[sflag:s18] =	ssyncadd.s32 $0xFFFFC000  }
0x33: {  	[spmem:s8] =	stream.linear.scatter [tilespmem:s17], [sflag:$0x5], $0x4000, $0x38;
	[tilespmem:$0x1C800] =	vst v63  }
0x34: {  	_ =	swait.ge [sflag:s18], $0x4000  }
0x35: {  	[sflag:s18] =	ssyncset.done $0x0  }
0x36: {  	s6 =	rddreg [dreg:$0x7];
	[sflag:s18] =	ssyncadd.s32 $0xFFFFC000  }
0x37: {  	[spmem:s6] =	stream.linear.scatter [tilespmem:s17], [sflag:$0x5], $0x4000, $0x38;
	[tilespmem:$0x1C800] =	vst v63  }
0x38: {  	_ =	swait.ge [sflag:s18], $0x4000  }
0x39: {  	[sflag:s18] =	ssyncset.done $0x0  }
0x3a: {  	s7 =	rddreg [dreg:$0x8];
	[sflag:s18] =	ssyncadd.s32 $0xFFFFC000  }
0x3b: {  	[spmem:s7] =	stream.linear.scatter [tilespmem:s17], [sflag:$0x5], $0x4000, $0x38;
	[tilespmem:$0x1C800] =	vst v63  }
0x3c: {  	_ =	swait.ge [sflag:s18], $0x4000  }
0x3d: {  	[sflag:s18] =	ssyncset.done $0x0  }
0x3e: {  	[sflag:s18] =	ssyncadd.s32 $0xFFFFC000  }
0x3f: {  	[spmem:s9] =	stream.linear.scatter [tilespmem:s17], [sflag:$0x5], $0x4000, $0x38;
	[tilespmem:$0x1C800] =	vst v63  }
0x40: {  	_ =	swait.ge [sflag:s18], $0x4000  }
0x41: {  	[sflag:s18] =	ssyncset.done $0x0  }
0x42: {  	[sflag:s18] =	ssyncadd.s32 $0xFFFFC000  }
0x43: {  	s8 =	sadd.s32 $0x0, s16;
	[bflag:$0x0] =	sbarrier.arrive $0xFFFF  }
0x44: {  	[tilespmem:s4], [sflag:$0x5] =	stream.linear.gather [hbm4b:s8+s4], $0x400, $0x38;
	[tilespmem:$0x1C800] =	vst v63  }
0x45: {  	_ =	swait.ge [sflag:s18], $0x400  }
0x46: {  	s9 =	rddreg [dreg:$0x4];
	[sflag:s18] =	ssyncset.done $0x0  }
0x47: {  	[sflag:s18] =	ssyncadd.s32 $0xFFFFFC00;
	s6 =	sadd.s32 $0x0, s9  }
0x48: {  	[tilespmem:s19], [sflag:$0x5] =	stream.linear.gather [hbm4b:s6+s4], $0x400, $0x38;
	[tilespmem:$0x1C800] =	vst v63  }
0x49: {  	_ =	swait.ge [sflag:s18], $0x400  }
0x4a: {  	[sflag:s18] =	ssyncset.done $0x0  }
0x4b: {  	[sflag:s18] =	ssyncadd.s32 $0xFFFFFC00  }
0x4c: {  	[tilespmem:s17], [sflag:$0x1] =	stream.indirect.gather [hbm4b:s1+s20], $0x80, s4, s20, $0xb8;
	[tilespmem:$0x1C800] =	vst v63  }
0x4d: {  	_ = 	snop  }
0x4e: {  	[tilespmem:s21], [sflag:$0x2] =	stream.indirect.gather [hbm4b:s1+s20], $0x80, s20, s20, $0xb8;
	[tilespmem:$0x1C800] =	vst v63  }
0x4f: {  	_ =	swait.ge [sflag:s22], $0x4000  }
0x50: {  	[sflag:s22] =	ssyncset.done $0x0  }
0x51: {  	[sflag:s22] =	ssyncadd.s32 $0xFFFFC000  }
0x52: {  	[spmem:s3] =	stream.indirect.scatter.add.f32 [tilespmem:s17], [sflag:$0x3], $0x80, s19, s20, $0xb8;
	[tilespmem:$0x1C800] =	vst v63  }
0x53: {  	_ =	swait.ge [sflag:s23], $0x4000  }
0x54: {  	[sflag:s23] =	ssyncset.done $0x0  }
0x55: {  	[sflag:s23] =	ssyncadd.s32 $0xFFFFC000  }
0x56: {  	[tilespmem:s17], [sflag:$0x1] =	stream.indirect.gather [hbm4b:s1+s20], $0x80, s24, s20, $0xb8;
	[tilespmem:$0x1C800] =	vst v63  }
0x57: {  	_ =	swait.ge [sflag:s25], $0x4000  }
0x58: {  	[sflag:s25] =	ssyncset.done $0x0  }
0x59: {  	[sflag:s25] =	ssyncadd.s32 $0xFFFFC000  }
0x5a: {  	[spmem:s3] =	stream.indirect.scatter.add.f32 [tilespmem:s21], [sflag:$0x4], $0x80, s26, s20, $0xb8;
	[tilespmem:$0x1C800] =	vst v63  }
0x5b: {  	_ =	swait.ge [sflag:s28], $0x4000  }
0x5c: {  	[sflag:s28] =	ssyncset.done $0x0  }
0x5d: {  	[sflag:s28] =	ssyncadd.s32 $0xFFFFC000  }
0x5e: {  	[tilespmem:s21], [sflag:$0x2] =	stream.indirect.gather [hbm4b:s1+s20], $0x80, s29, s20, $0xb8;
	[tilespmem:$0x1C800] =	vst v63  }
0x5f: {  	_ =	swait.ge [sflag:s22], $0x4000  }
0x60: {  	[sflag:s22] =	ssyncset.done $0x0  }
0x61: {  	[sflag:s22] =	ssyncadd.s32 $0xFFFFC000  }
0x62: {  	[spmem:s3] =	stream.indirect.scatter.add.f32 [tilespmem:s17], [sflag:$0x3], $0x80, s30, s20, $0xb8;
	[tilespmem:$0x1C800] =	vst v63  }
0x63: {  	_ =	swait.ge [sflag:s23], $0x4000  }
0x64: {  	[sflag:s23] =	ssyncset.done $0x0  }
0x65: {  	[sflag:s23] =	ssyncadd.s32 $0xFFFFC000  }
0x66: {  	[tilespmem:s17], [sflag:$0x1] =	stream.indirect.gather [hbm4b:s1+s20], $0x80, s31, s20, $0xb8;
	[tilespmem:$0x1C800] =	vst v63  }
0x67: {  	_ =	swait.ge [sflag:s25], $0x4000  }
0x68: {  	[sflag:s25] =	ssyncset.done $0x0  }
0x69: {  	[sflag:s25] =	ssyncadd.s32 $0xFFFFC000  }
0x6a: {  	[spmem:s3] =	stream.indirect.scatter.add.f32 [tilespmem:s21], [sflag:$0x4], $0x80, s2, s20, $0xb8;
	[tilespmem:$0x1C800] =	vst v63  }
0x6b: {  	_ =	swait.ge [sflag:s28], $0x4000  }
0x6c: {  	[sflag:s28] =	ssyncset.done $0x0  }
0x6d: {  	[sflag:s28] =	ssyncadd.s32 $0xFFFFC000  }
0x6e: {  	[tilespmem:s21], [sflag:$0x2] =	stream.indirect.gather [hbm4b:s1+s20], $0x80, s0, s20, $0xb8;
	[tilespmem:$0x1C800] =	vst v63  }
0x6f: {  	_ =	swait.ge [sflag:s22], $0x4000  }
0x70: {  	[sflag:s22] =	ssyncset.done $0x0  }
0x71: {  	[sflag:s22] =	ssyncadd.s32 $0xFFFFC000  }
0x72: {  	[spmem:s3] =	stream.indirect.scatter.add.f32 [tilespmem:s17], [sflag:$0x3], $0x80, s10, s20, $0xb8;
	[tilespmem:$0x1C800] =	vst v63  }
0x73: {  	_ =	swait.ge [sflag:s23], $0x4000  }
0x74: {  	[sflag:s23] =	ssyncset.done $0x0  }
0x75: {  	[sflag:s23] =	ssyncadd.s32 $0xFFFFC000  }
0x76: {  	[tilespmem:s17], [sflag:$0x1] =	stream.indirect.gather [hbm4b:s1+s20], $0x80, s11, s20, $0xb8;
	[tilespmem:$0x1C800] =	vst v63  }
0x77: {  	_ =	swait.ge [sflag:s25], $0x4000  }
0x78: {  	[sflag:s25] =	ssyncset.done $0x0  }
0x79: {  	[sflag:s25] =	ssyncadd.s32 $0xFFFFC000  }
0x7a: {  	[spmem:s3] =	stream.indirect.scatter.add.f32 [tilespmem:s21], [sflag:$0x4], $0x80, s12, s20, $0xb8;
	[tilespmem:$0x1C800] =	vst v63  }
0x7b: {  	_ =	swait.ge [sflag:s28], $0x4000  }
0x7c: {  	[sflag:s28] =	ssyncset.done $0x0  }
0x7d: {  	[sflag:s28] =	ssyncadd.s32 $0xFFFFC000  }
0x7e: {  	[tilespmem:s21], [sflag:$0x2] =	stream.indirect.gather [hbm4b:s1+s20], $0x80, s13, s20, $0xb8;
	[tilespmem:$0x1C800] =	vst v63  }
0x7f: {  	_ =	swait.ge [sflag:s22], $0x4000  }
0x80: {  	[sflag:s22] =	ssyncset.done $0x0  }
0x81: {  	[sflag:s22] =	ssyncadd.s32 $0xFFFFC000  }
0x82: {  	[spmem:s3] =	stream.indirect.scatter.add.f32 [tilespmem:s17], [sflag:$0x3], $0x80, s14, s20, $0xb8;
	[tilespmem:$0x1C800] =	vst v63  }
0x83: {  	_ =	swait.ge [sflag:s25], $0x4000  }
0x84: {  	[sflag:s25] =	ssyncset.done $0x0  }
0x85: {  	[sflag:s25] =	ssyncadd.s32 $0xFFFFC000  }
0x86: {  	[spmem:s3] =	stream.indirect.scatter.add.f32 [tilespmem:s21], [sflag:$0x4], $0x80, s15, s20, $0xb8;
	[tilespmem:$0x1C800] =	vst v63  }
0x87: {  	_ =	swait.ge [sflag:s23], $0x4000  }
0x88: {  	[sflag:s23] =	ssyncset.done $0x0  }
0x89: {  	[sflag:s23] =	ssyncadd.s32 $0xFFFFC000  }
0x8a: {  	_ =	swait.ge [sflag:s28], $0x4000  }
0x8b: {  	s7 =	simm.s32 $0x100;
	s6 =	simm.s32 $0x80;
	[sflag:s28] =	ssyncset.done $0x0  }
.LBB2_4:
0x8c: {  	s9 =	sadd.s32 s6, s16;
	[sflag:s28] =	ssyncadd.s32 $0xFFFFC000  }
0x8d: {  	[tilespmem:s4], [sflag:$0x5] =	stream.linear.gather [hbm4b:s9+s4], $0x400, $0x38;
	[tilespmem:$0x1C800] =	vst v63  }
0x8e: {  	s5 =	smov.u32 s7;
	_ =	swait.ge [sflag:s18], $0x400  }
0x8f: {  	s8 =	sadd.s32 $0x80, s7;
	s9 =	rddreg [dreg:$0x4];
	[sflag:s18] =	ssyncset.done $0x0  }
0x90: {  	p0 =	sne.s32 s7, $0x480;
	[sflag:s18] =	ssyncadd.s32 $0xFFFFFC00;
	s7 =	sadd.s32 s6, s9  }
0x91: {  	[tilespmem:s19], [sflag:$0x5] =	stream.linear.gather [hbm4b:s7+s4], $0x400, $0x38;
	[tilespmem:$0x1C800] =	vst v63  }
0x92: {  	_ =	swait.ge [sflag:s18], $0x400  }
0x93: {  	[sflag:s18] =	ssyncset.done $0x0  }
0x94: {  	[sflag:s18] =	ssyncadd.s32 $0xFFFFFC00  }
0x95: {  	[tilespmem:s17], [sflag:$0x1] =	stream.indirect.gather [hbm4b:s1+s20], $0x80, s4, s20, $0xb8;
	[tilespmem:$0x1C800] =	vst v63  }
0x96: {  	_ = 	snop  }
0x97: {  	[tilespmem:s21], [sflag:$0x2] =	stream.indirect.gather [hbm4b:s1+s20], $0x80, s20, s20, $0xb8;
	[tilespmem:$0x1C800] =	vst v63  }
0x98: {  	_ =	swait.ge [sflag:s22], $0x4000  }
0x99: {  	[sflag:s22] =	ssyncset.done $0x0  }
0x9a: {  	[sflag:s22] =	ssyncadd.s32 $0xFFFFC000  }
0x9b: {  	[spmem:s3] =	stream.indirect.scatter.add.f32 [tilespmem:s17], [sflag:$0x3], $0x80, s19, s20, $0xb8;
	[tilespmem:$0x1C800] =	vst v63  }
0x9c: {  	_ =	swait.ge [sflag:s23], $0x4000  }
0x9d: {  	[sflag:s23] =	ssyncset.done $0x0  }
0x9e: {  	[sflag:s23] =	ssyncadd.s32 $0xFFFFC000  }
0x9f: {  	[tilespmem:s17], [sflag:$0x1] =	stream.indirect.gather [hbm4b:s1+s20], $0x80, s24, s20, $0xb8;
	[tilespmem:$0x1C800] =	vst v63  }
0xa0: {  	_ =	swait.ge [sflag:s25], $0x4000  }
0xa1: {  	[sflag:s25] =	ssyncset.done $0x0  }
0xa2: {  	[sflag:s25] =	ssyncadd.s32 $0xFFFFC000  }
0xa3: {  	[spmem:s3] =	stream.indirect.scatter.add.f32 [tilespmem:s21], [sflag:$0x4], $0x80, s26, s20, $0xb8;
	[tilespmem:$0x1C800] =	vst v63  }
0xa4: {  	_ =	swait.ge [sflag:s28], $0x4000  }
0xa5: {  	[sflag:s28] =	ssyncset.done $0x0  }
0xa6: {  	[sflag:s28] =	ssyncadd.s32 $0xFFFFC000  }
0xa7: {  	[tilespmem:s21], [sflag:$0x2] =	stream.indirect.gather [hbm4b:s1+s20], $0x80, s29, s20, $0xb8;
	[tilespmem:$0x1C800] =	vst v63  }
0xa8: {  	_ =	swait.ge [sflag:s22], $0x4000  }
0xa9: {  	[sflag:s22] =	ssyncset.done $0x0  }
0xaa: {  	[sflag:s22] =	ssyncadd.s32 $0xFFFFC000  }
0xab: {  	[spmem:s3] =	stream.indirect.scatter.add.f32 [tilespmem:s17], [sflag:$0x3], $0x80, s30, s20, $0xb8;
	[tilespmem:$0x1C800] =	vst v63  }
0xac: {  	_ =	swait.ge [sflag:s23], $0x4000  }
0xad: {  	[sflag:s23] =	ssyncset.done $0x0  }
0xae: {  	[sflag:s23] =	ssyncadd.s32 $0xFFFFC000  }
0xaf: {  	[tilespmem:s17], [sflag:$0x1] =	stream.indirect.gather [hbm4b:s1+s20], $0x80, s31, s20, $0xb8;
	[tilespmem:$0x1C800] =	vst v63  }
0xb0: {  	_ =	swait.ge [sflag:s25], $0x4000  }
0xb1: {  	[sflag:s25] =	ssyncset.done $0x0  }
0xb2: {  	[sflag:s25] =	ssyncadd.s32 $0xFFFFC000  }
0xb3: {  	[spmem:s3] =	stream.indirect.scatter.add.f32 [tilespmem:s21], [sflag:$0x4], $0x80, s2, s20, $0xb8;
	[tilespmem:$0x1C800] =	vst v63  }
0xb4: {  	_ =	swait.ge [sflag:s28], $0x4000  }
0xb5: {  	[sflag:s28] =	ssyncset.done $0x0  }
0xb6: {  	[sflag:s28] =	ssyncadd.s32 $0xFFFFC000  }
0xb7: {  	[tilespmem:s21], [sflag:$0x2] =	stream.indirect.gather [hbm4b:s1+s20], $0x80, s0, s20, $0xb8;
	[tilespmem:$0x1C800] =	vst v63  }
0xb8: {  	_ =	swait.ge [sflag:s22], $0x4000  }
0xb9: {  	[sflag:s22] =	ssyncset.done $0x0  }
0xba: {  	[sflag:s22] =	ssyncadd.s32 $0xFFFFC000  }
0xbb: {  	[spmem:s3] =	stream.indirect.scatter.add.f32 [tilespmem:s17], [sflag:$0x3], $0x80, s10, s20, $0xb8;
	[tilespmem:$0x1C800] =	vst v63  }
0xbc: {  	_ =	swait.ge [sflag:s23], $0x4000  }
0xbd: {  	[sflag:s23] =	ssyncset.done $0x0  }
0xbe: {  	[sflag:s23] =	ssyncadd.s32 $0xFFFFC000  }
0xbf: {  	[tilespmem:s17], [sflag:$0x1] =	stream.indirect.gather [hbm4b:s1+s20], $0x80, s11, s20, $0xb8;
	[tilespmem:$0x1C800] =	vst v63  }
0xc0: {  	_ =	swait.ge [sflag:s25], $0x4000  }
0xc1: {  	[sflag:s25] =	ssyncset.done $0x0  }
0xc2: {  	[sflag:s25] =	ssyncadd.s32 $0xFFFFC000  }
0xc3: {  	[spmem:s3] =	stream.indirect.scatter.add.f32 [tilespmem:s21], [sflag:$0x4], $0x80, s12, s20, $0xb8;
	[tilespmem:$0x1C800] =	vst v63  }
0xc4: {  	_ =	swait.ge [sflag:s28], $0x4000  }
0xc5: {  	[sflag:s28] =	ssyncset.done $0x0  }
0xc6: {  	[sflag:s28] =	ssyncadd.s32 $0xFFFFC000  }
0xc7: {  	[tilespmem:s21], [sflag:$0x2] =	stream.indirect.gather [hbm4b:s1+s20], $0x80, s13, s20, $0xb8;
	[tilespmem:$0x1C800] =	vst v63  }
0xc8: {  	_ =	swait.ge [sflag:s22], $0x4000  }
0xc9: {  	[sflag:s22] =	ssyncset.done $0x0  }
0xca: {  	[sflag:s22] =	ssyncadd.s32 $0xFFFFC000  }
0xcb: {  	[spmem:s3] =	stream.indirect.scatter.add.f32 [tilespmem:s17], [sflag:$0x3], $0x80, s14, s20, $0xb8;
	[tilespmem:$0x1C800] =	vst v63  }
0xcc: {  	_ =	swait.ge [sflag:s25], $0x4000  }
0xcd: {  	[sflag:s25] =	ssyncset.done $0x0  }
0xce: {  	[sflag:s25] =	ssyncadd.s32 $0xFFFFC000  }
0xcf: {  	[spmem:s3] =	stream.indirect.scatter.add.f32 [tilespmem:s21], [sflag:$0x4], $0x80, s15, s20, $0xb8;
	[tilespmem:$0x1C800] =	vst v63  }
.Ltmp1:
0xd0: {  	_ =	swait.ge [sflag:s23], $0x4000;
	(pc) =	sbr.rel @p0 .LBB2_4-.Ltmp1, $4  }
0xd1: {  	[sflag:s23] =	ssyncset.done $0x0  }
0xd2: {  	[sflag:s23] =	ssyncadd.s32 $0xFFFFC000  }
0xd3: {  	_ =	swait.ge [sflag:s28], $0x4000  }
0xd4: {  	s6 =	smov.u32 s5;
	s7 =	smov.u32 s8;
	[sflag:s28] =	ssyncset.done $0x0  }
0xd5: {  	s5 =	sadd.s32 s6, s16;
	[sflag:s28] =	ssyncadd.s32 $0xFFFFC000  }
0xd6: {  	[tilespmem:s4], [sflag:$0x5] =	stream.linear.gather [hbm4b:s5+s4], $0x400, $0x38;
	[tilespmem:$0x1C800] =	vst v63  }
0xd7: {  	_ =	swait.ge [sflag:s18], $0x400  }
0xd8: {  	s9 =	rddreg [dreg:$0x4];
	[sflag:s18] =	ssyncset.done $0x0  }
0xd9: {  	[sflag:s18] =	ssyncadd.s32 $0xFFFFFC00;
	s5 =	sadd.s32 s6, s9  }
0xda: {  	[tilespmem:s19], [sflag:$0x5] =	stream.linear.gather [hbm4b:s5+s4], $0x400, $0x38;
	[tilespmem:$0x1C800] =	vst v63  }
0xdb: {  	_ =	swait.ge [sflag:s18], $0x400  }
0xdc: {  	[sflag:s18] =	ssyncset.done $0x0  }
0xdd: {  	[sflag:s18] =	ssyncadd.s32 $0xFFFFFC00  }
0xde: {  	[tilespmem:s17], [sflag:$0x1] =	stream.indirect.gather [hbm4b:s1+s20], $0x80, s4, s20, $0xb8;
	[tilespmem:$0x1C800] =	vst v63  }
0xdf: {  	_ = 	snop  }
0xe0: {  	[tilespmem:s21], [sflag:$0x2] =	stream.indirect.gather [hbm4b:s1+s20], $0x80, s20, s20, $0xb8;
	[tilespmem:$0x1C800] =	vst v63  }
0xe1: {  	_ =	swait.ge [sflag:s22], $0x4000  }
0xe2: {  	[sflag:s22] =	ssyncset.done $0x0  }
0xe3: {  	[sflag:s22] =	ssyncadd.s32 $0xFFFFC000  }
0xe4: {  	[spmem:s3] =	stream.indirect.scatter.add.f32 [tilespmem:s17], [sflag:$0x3], $0x80, s19, s20, $0xb8;
	[tilespmem:$0x1C800] =	vst v63  }
0xe5: {  	_ =	swait.ge [sflag:s23], $0x4000  }
0xe6: {  	[sflag:s23] =	ssyncset.done $0x0  }
0xe7: {  	[sflag:s23] =	ssyncadd.s32 $0xFFFFC000  }
0xe8: {  	[tilespmem:s17], [sflag:$0x1] =	stream.indirect.gather [hbm4b:s1+s20], $0x80, s24, s20, $0xb8;
	[tilespmem:$0x1C800] =	vst v63  }
0xe9: {  	_ =	swait.ge [sflag:s25], $0x4000  }
0xea: {  	[sflag:s25] =	ssyncset.done $0x0  }
0xeb: {  	[sflag:s25] =	ssyncadd.s32 $0xFFFFC000  }
0xec: {  	[spmem:s3] =	stream.indirect.scatter.add.f32 [tilespmem:s21], [sflag:$0x4], $0x80, s26, s20, $0xb8;
	[tilespmem:$0x1C800] =	vst v63  }
0xed: {  	_ =	swait.ge [sflag:s28], $0x4000  }
0xee: {  	[sflag:s28] =	ssyncset.done $0x0  }
0xef: {  	[sflag:s28] =	ssyncadd.s32 $0xFFFFC000  }
0xf0: {  	[tilespmem:s21], [sflag:$0x2] =	stream.indirect.gather [hbm4b:s1+s20], $0x80, s29, s20, $0xb8;
	[tilespmem:$0x1C800] =	vst v63  }
0xf1: {  	_ =	swait.ge [sflag:s22], $0x4000  }
0xf2: {  	[sflag:s22] =	ssyncset.done $0x0  }
0xf3: {  	[sflag:s22] =	ssyncadd.s32 $0xFFFFC000  }
0xf4: {  	[spmem:s3] =	stream.indirect.scatter.add.f32 [tilespmem:s17], [sflag:$0x3], $0x80, s30, s20, $0xb8;
	[tilespmem:$0x1C800] =	vst v63  }
0xf5: {  	_ =	swait.ge [sflag:s23], $0x4000  }
0xf6: {  	[sflag:s23] =	ssyncset.done $0x0  }
0xf7: {  	[sflag:s23] =	ssyncadd.s32 $0xFFFFC000  }
0xf8: {  	[tilespmem:s17], [sflag:$0x1] =	stream.indirect.gather [hbm4b:s1+s20], $0x80, s31, s20, $0xb8;
	[tilespmem:$0x1C800] =	vst v63  }
0xf9: {  	_ =	swait.ge [sflag:s25], $0x4000  }
0xfa: {  	[sflag:s25] =	ssyncset.done $0x0  }
0xfb: {  	[sflag:s25] =	ssyncadd.s32 $0xFFFFC000  }
0xfc: {  	[spmem:s3] =	stream.indirect.scatter.add.f32 [tilespmem:s21], [sflag:$0x4], $0x80, s2, s20, $0xb8;
	[tilespmem:$0x1C800] =	vst v63  }
0xfd: {  	_ =	swait.ge [sflag:s28], $0x4000  }
0xfe: {  	[sflag:s28] =	ssyncset.done $0x0  }
0xff: {  	[sflag:s28] =	ssyncadd.s32 $0xFFFFC000  }
0x100: {  	[tilespmem:s21], [sflag:$0x2] =	stream.indirect.gather [hbm4b:s1+s20], $0x80, s0, s20, $0xb8;
	[tilespmem:$0x1C800] =	vst v63  }
0x101: {  	_ =	swait.ge [sflag:s22], $0x4000  }
0x102: {  	[sflag:s22] =	ssyncset.done $0x0  }
0x103: {  	[sflag:s22] =	ssyncadd.s32 $0xFFFFC000  }
0x104: {  	[spmem:s3] =	stream.indirect.scatter.add.f32 [tilespmem:s17], [sflag:$0x3], $0x80, s10, s20, $0xb8;
	[tilespmem:$0x1C800] =	vst v63  }
0x105: {  	_ =	swait.ge [sflag:s23], $0x4000  }
0x106: {  	[sflag:s23] =	ssyncset.done $0x0  }
0x107: {  	[sflag:s23] =	ssyncadd.s32 $0xFFFFC000  }
0x108: {  	[tilespmem:s17], [sflag:$0x1] =	stream.indirect.gather [hbm4b:s1+s20], $0x80, s11, s20, $0xb8;
	[tilespmem:$0x1C800] =	vst v63  }
0x109: {  	_ =	swait.ge [sflag:s25], $0x4000  }
0x10a: {  	[sflag:s25] =	ssyncset.done $0x0  }
0x10b: {  	[sflag:s25] =	ssyncadd.s32 $0xFFFFC000  }
0x10c: {  	[spmem:s3] =	stream.indirect.scatter.add.f32 [tilespmem:s21], [sflag:$0x4], $0x80, s12, s20, $0xb8;
	[tilespmem:$0x1C800] =	vst v63  }
0x10d: {  	_ =	swait.ge [sflag:s28], $0x4000  }
0x10e: {  	[sflag:s28] =	ssyncset.done $0x0  }
0x10f: {  	[sflag:s28] =	ssyncadd.s32 $0xFFFFC000  }
0x110: {  	[tilespmem:s21], [sflag:$0x2] =	stream.indirect.gather [hbm4b:s1+s20], $0x80, s13, s20, $0xb8;
	[tilespmem:$0x1C800] =	vst v63  }
0x111: {  	_ =	swait.ge [sflag:s22], $0x4000  }
0x112: {  	[sflag:s22] =	ssyncset.done $0x0  }
0x113: {  	[sflag:s22] =	ssyncadd.s32 $0xFFFFC000  }
0x114: {  	[spmem:s3] =	stream.indirect.scatter.add.f32 [tilespmem:s17], [sflag:$0x3], $0x80, s14, s20, $0xb8;
	[tilespmem:$0x1C800] =	vst v63  }
0x115: {  	_ =	swait.ge [sflag:s25], $0x4000  }
0x116: {  	[sflag:s25] =	ssyncset.done $0x0  }
0x117: {  	[sflag:s25] =	ssyncadd.s32 $0xFFFFC000  }
0x118: {  	[spmem:s3] =	stream.indirect.scatter.add.f32 [tilespmem:s21], [sflag:$0x4], $0x80, s15, s20, $0xb8;
	[tilespmem:$0x1C800] =	vst v63  }
0x119: {  	_ =	swait.ge [sflag:s23], $0x4000  }
0x11a: {  	[sflag:s23] =	ssyncset.done $0x0  }
0x11b: {  	[sflag:s23] =	ssyncadd.s32 $0xFFFFC000  }
0x11c: {  	_ =	swait.ge [sflag:s28], $0x4000  }
0x11d: {  	[sflag:s28] =	ssyncset.done $0x0  }
0x11e: {  	[sflag:s28] =	ssyncadd.s32 $0xFFFFC000  }
0x11f: {  	s6 =	stileid.u32;
	[bflag:$0x0] =	sbarrier.arrive $0xFFFF  }
0x120: {  	s5 =	sshll.u32 s6, $0x6;
	s7 =	rddreg [dreg:$0x5]  }
0x121: {  	s5 =	sor.u32 $0x1C05, s5;
	s6 =	sshrl.u32 s7, $0x3;
	s7 =	rddreg [dreg:$0xa]  }
0x122: {  	[hbm:s7], [sflag:s5] =	dma.local [spmem:s6], $0x800  }
0x123: {  	_ =	swait.ge [sflag:s18], $0x800  }
0x124: {  	[sflag:s18] =	ssyncset.done $0x0;
	s8 =	rddreg [dreg:$0x6]  }
0x125: {  	s9 =	rddreg [dreg:$0xb];
	[sflag:s18] =	ssyncadd.s32 $0xFFFFF800;
	s6 =	sshrl.u32 s8, $0x3  }
0x126: {  	[hbm:s9], [sflag:s5] =	dma.local [spmem:s6], $0x800  }
0x127: {  	_ =	swait.ge [sflag:s18], $0x800  }
0x128: {  	[sflag:s18] =	ssyncset.done $0x0;
	s8 =	rddreg [dreg:$0x7]  }
0x129: {  	s9 =	rddreg [dreg:$0xc];
	[sflag:s18] =	ssyncadd.s32 $0xFFFFF800;
	s6 =	sshrl.u32 s8, $0x3  }
0x12a: {  	[hbm:s9], [sflag:s5] =	dma.local [spmem:s6], $0x800  }
0x12b: {  	_ =	swait.ge [sflag:s18], $0x800  }
0x12c: {  	[sflag:s18] =	ssyncset.done $0x0;
	s8 =	rddreg [dreg:$0x8]  }
0x12d: {  	s9 =	rddreg [dreg:$0xd];
	[sflag:s18] =	ssyncadd.s32 $0xFFFFF800;
	s6 =	sshrl.u32 s8, $0x3  }
0x12e: {  	[hbm:s9], [sflag:s5] =	dma.local [spmem:s6], $0x800  }
0x12f: {  	_ =	swait.ge [sflag:s18], $0x800  }
0x130: {  	[sflag:s18] =	ssyncset.done $0x0;
	s9 =	rddreg [dreg:$0x9]  }
0x131: {  	s8 =	rddreg [dreg:$0xe];
	[sflag:s18] =	ssyncadd.s32 $0xFFFFF800;
	s7 =	sshrl.u32 s9, $0x3  }
0x132: {  	[hbm:s8], [sflag:s5] =	dma.local [spmem:s7], $0x800  }
0x133: {  	_ =	swait.ge [sflag:s18], $0x800  }
0x134: {  	s7 =	rddreg [dreg:$0x10]  }
0x135: {  	s8 =	rddreg [dreg:$0xf];
	s6 =	sadd.s32 $0x1, s7  }
0x136: {  	p0 =	sne.s32 s6, s8  }
.Ltmp2:
0x137: {  	_ = 	snop;
	(pc) =	sbr.rel @p0 .LBB2_1-.Ltmp2, $3  }
0x138: {  	_ =	sdelay $0x1  }
0x139: {  	[sflag:s18] =	ssyncset.done $0x0  }
0x13a: {  	[sflag:s18] =	ssyncadd.s32 $0xFFFFF800  }
0x13b: {  	_ =	sfence.sel $0x180000  }
0x13c: {  	[bflag:$0x0] =	sbarrier.arrive $0xFFFF  }
0x13d: {  	_ =	strace $0x9000004A  }
0x13e: {  	s0 =	stileid.u32;
	[bflag:$0x2] =	sbarrier.arrive $0xFFFF  }
0x13f: {  	p0 =	sne.s32 s0, $0x0;
	s0 =	rddreg [dreg:$0x3]  }
0x140: {  	s0 =	sadd.s32 @!p0 $0x100000, s0  }
0x141: {  	[sflag:s0] =	ssyncadd.tile.s32 @!p0 $0x1;
	_ =	shalt  }
.Lfunc_end2:
_tile_overlayer_lowered:
.L_overlay_start_2:
0x142: {  	(tag) =	ssettag $0x2  }
0x143: {  	s0 =	rddreg [dreg:$0x0];
	s2 =	stileid.u32  }
0x144: {  	s1 =	rddreg [dreg:$0x1];
	p0 =	sne.s32 s2, $0x0  }
0x145: {  	s3 =	rddreg [dreg:$0x2];
	[bflag:$0x3] =	sbarrier.arrive $0xFFFF;
	s2 =	simm.s32 @!p0 $0x1C05  }
0x146: {  	[timem:s3], [sflag:s2] =	dma.local @!p0 [hbm:s0], s1  }
0x147: {  	s0 =	simm.s32 @!p0 $0x5  }
0x148: {  	_ =	swait.ge @!p0 [sflag:s0], s1  }
0x149: {  	s1 =	ssub.s32 @!p0 $0x0, s1;
	[sflag:s0] =	ssyncset.done @!p0 $0x0  }
0x14a: {  	[sflag:s0] =	ssyncadd.s32 @!p0 s1  }
0x14b: {  	[bflag:$0x3] =	sbarrier.arrive $0xFFFF  }
0x14c: {  	_ =	shalt  }

// kernel: kernel.7.cloned.1.call-start
scs
__scs_entry_jumppad:
0x0: {  	(pc) =	sbr.rel $0x88, $3  }
0x1: {  	(tag) =	ssettag $0x0;
	lr =	simm.s32 $0x1  }
0x2: {  	[smem:$0x3F9E] =	sst lr;
	_ =	strace $0xD0000000  }
0x3: {  	_ = 	snop  }
0x4: {  	_ = 	snop  }
0x5: {  	_ = 	snop  }
0x6: {  	_ = 	snop  }
0x7: {  	_ = 	snop  }
__scs_overlays_trampoline_lowered:
0x8: {  	[smem:$0x3FAD] =	sst s0  }
0x9: {  	[smem:$0x3FAE] =	sst s1  }
0xa: {  	[smem:$0x3FAF] =	sst s2  }
0xb: {  	[smem:$0x3FB0] =	sst s3  }
0xc: {  	[smem:$0x3FB1] =	sst s4  }
0xd: {  	[smem:$0x3FB2] =	sst s5  }
0xe: {  	[smem:$0x3FB3] =	sst s6  }
0xf: {  	[smem:$0x3FB4] =	sst s7  }
0x10: {  	[smem:$0x3FB5] =	sst s8  }
0x11: {  	[smem:$0x3FB6] =	sst s9;
	s0 =	simm.s32 @!p0 $0x0  }
0x12: {  	s1 =	sld [smem:$0x3F9C];
	s0 =	simm.s32 @p0 $0x1  }
0x13: {  	[smem:$0x3FB7] =	sst s0;
	s0 =	simm.s32 @!p1 $0x0  }
0x14: {  	s2 =	sld [smem:$0x3F9B];
	s0 =	simm.s32 @p1 $0x1  }
0x15: {  	[smem:$0x3FB8] =	sst s0;
	s0 =	simm.s32 @!p2 $0x0  }
0x16: {  	s3 =	sld [smem:$0x3FDB];
	s0 =	simm.s32 @p2 $0x1  }
0x17: {  	s4 =	simm.s32 $0x1BF5;
	[smem:$0x3FBA] =	sst s0  }
0x18: {  	s0 =	sld [smem:$0x3F9D];
	_ =	swait.ge [sflag:s4], $0x0  }
0x19: {  	s7 =	sld [smem:$0x3F9E]  }
0x1a: {  	s8 =	sadd.s32 $0xFFFFE003, lr  }
0x1b: {  	s9 =	sadd.s32 $0xFFFFFEF7, lr;
	s5 =	simm.s32 $0xFFFFFFFF;
	p2 =	slt.u32 s8, $0xFFFFF086  }
0x1c: {  	p1 =	slt.u32 s9, $0xF7A;
	s5 =	simm.s32 @!p2 $0x0  }
0x1d: {  	s5 =	simm.s32 @p1 $0x1;
	p0 =	seq.s32 s7, s2  }
0x1e: {  	s7 =	smul.u32 @!p0 $0xF7A, s2;
	p2 =	seq.s32 @!p0 s5, $0x0  }
0x1f: {  	s9 =	smul.u32 $0xF7A, s1;
	s8 =	simm.s32 @!p0 $0x1BF5;
	p2 =	por !p2, p0  }
0x20: {  	[sflag:s8] =	ssyncset.s32 @!p0 $0xFFFFF086;
	s6 =	sadd.s32 @!p0 s3, s7;
	s7 =	simm.s32 @!p0 $0x108  }
0x21: {  	s3 =	sadd.s32 s3, s9;
	s6 =	sadd.s32 @!p0 $0x88, s6;
	s7 =	simm.s32 @p2 $0x1082  }
0x22: {  	[simem:s7], [sflag:s8] =	dma.local @!p0 [hbm:s6], $0xF7A  }
0x23: {  	s9 =	sor.u32 $0xD0000000, s2;
	s6 =	simm.s32 $0x108;
	_ =	swait.ge @!p0 [sflag:s8], $0x0  }
0x24: {  	s3 =	sadd.s32 $0x88, s3;
	s6 =	simm.s32 @!p1 $0x1082;
	[sflag:s4] =	ssyncset.s32 $0xFFFFF086  }
0x25: {  	[simem:s6], [sflag:s4] =	dma.local [hbm:s3], $0xF7A  }
0x26: {  	[smem:$0x3F9E] =	sst s1;
	(tag) =	ssettag s2;
	_ =	strace s9  }
0x27: {  	s1 =	sld [smem:$0x3FAE]  }
0x28: {  	s2 =	sld [smem:$0x3FAF]  }
0x29: {  	s4 =	sld [smem:$0x3FB1]  }
0x2a: {  	p0 =	seq.s32 s5, $0x0;
	s5 =	sld [smem:$0x3FB2]  }
0x2b: {  	s6 =	sld [smem:$0x3FB3]  }
0x2c: {  	s7 =	sld [smem:$0x3FB4]  }
0x2d: {  	s3 =	simm.s32 $0x108;
	s8 =	sld [smem:$0x3FB5]  }
0x2e: {  	s3 =	simm.s32 @!p0 $0x1082;
	s9 =	sld [smem:$0x3FB6]  }
0x2f: {  	lr =	sadd.s32 s0, s3;
	s0 =	sld [smem:$0x3FAD]  }
0x30: {  	s3 =	sld [smem:$0x3FB0]  }
0x31: {  	[smem:$0x3FB9] =	sst s10  }
0x32: {  	s10 =	sld [smem:$0x3FB7];
	_ =	sdelay $0x3  }
0x33: {  	p0 =	seq.s32 s10, $0x1;
	s10 =	sld [smem:$0x3FB9];
	_ =	sdelay $0x3  }
0x34: {  	[smem:$0x3FB9] =	sst s10  }
0x35: {  	s10 =	sld [smem:$0x3FB8];
	_ =	sdelay $0x3  }
0x36: {  	p1 =	seq.s32 s10, $0x1;
	s10 =	sld [smem:$0x3FB9];
	_ =	sdelay $0x3  }
0x37: {  	[smem:$0x3FB9] =	sst s10  }
0x38: {  	s10 =	sld [smem:$0x3FBA]  }
0x39: {  	_ = 	snop;
	(pc) =	sbr.ind lr, $3  }
0x3a: {  	_ = 	snop  }
0x3b: {  	_ = 	snop  }
0x3c: {  	p2 =	seq.s32 s10, $0x1;
	s10 =	sld [smem:$0x3FB9]  }
0x3d: {  	_ =	shalt  }
0x3e: {  	_ =	shalt  }
0x3f: {  	_ =	shalt  }
0x40: {  	_ =	shalt  }
0x41: {  	_ =	shalt  }
0x42: {  	_ =	shalt  }
0x43: {  	_ =	shalt  }
0x44: {  	_ =	shalt  }
0x45: {  	_ =	shalt  }
0x46: {  	_ =	shalt  }
0x47: {  	_ =	shalt  }
0x48: {  	_ =	shalt  }
0x49: {  	_ =	shalt  }
0x4a: {  	_ =	shalt  }
0x4b: {  	_ =	shalt  }
0x4c: {  	_ =	shalt  }
0x4d: {  	_ =	shalt  }
0x4e: {  	_ =	shalt  }
0x4f: {  	_ =	shalt  }
0x50: {  	_ =	shalt  }
0x51: {  	_ =	shalt  }
0x52: {  	_ =	shalt  }
0x53: {  	_ =	shalt  }
0x54: {  	_ =	shalt  }
0x55: {  	_ =	shalt  }
0x56: {  	_ =	shalt  }
0x57: {  	_ =	shalt  }
0x58: {  	_ =	shalt  }
0x59: {  	_ =	shalt  }
0x5a: {  	_ =	shalt  }
0x5b: {  	_ =	shalt  }
0x5c: {  	_ =	shalt  }
0x5d: {  	_ =	shalt  }
0x5e: {  	_ =	shalt  }
0x5f: {  	_ =	shalt  }
0x60: {  	_ =	shalt  }
0x61: {  	_ =	shalt  }
0x62: {  	_ =	shalt  }
0x63: {  	_ =	shalt  }
0x64: {  	_ =	shalt  }
0x65: {  	_ =	shalt  }
0x66: {  	_ =	shalt  }
0x67: {  	_ =	shalt  }
0x68: {  	_ =	shalt  }
0x69: {  	_ =	shalt  }
0x6a: {  	_ =	shalt  }
0x6b: {  	_ =	shalt  }
0x6c: {  	_ =	shalt  }
0x6d: {  	_ =	shalt  }
0x6e: {  	_ =	shalt  }
0x6f: {  	_ =	shalt  }
0x70: {  	_ =	shalt  }
0x71: {  	_ =	shalt  }
0x72: {  	_ =	shalt  }
0x73: {  	_ =	shalt  }
0x74: {  	_ =	shalt  }
0x75: {  	_ =	shalt  }
0x76: {  	_ =	shalt  }
0x77: {  	_ =	shalt  }
0x78: {  	_ =	shalt  }
0x79: {  	_ =	shalt  }
0x7a: {  	_ =	shalt  }
0x7b: {  	_ =	shalt  }
0x7c: {  	_ =	shalt  }
0x7d: {  	_ =	shalt  }
0x7e: {  	_ =	shalt  }
0x7f: {  	_ =	shalt  }
0x80: {  	_ =	shalt  }
0x81: {  	_ =	shalt  }
0x82: {  	_ =	shalt  }
0x83: {  	_ =	shalt  }
0x84: {  	_ =	shalt  }
0x85: {  	_ =	shalt  }
0x86: {  	_ =	shalt  }
0x87: {  	_ =	shalt  }
.Lfunc_end0:
.L_simem_size_0:
called_computation_lowered:
.L_overlay_start_0:
0x88: {  	s2 =	sld [smem:$0x3FD9]  }
0x89: {  	s3 =	sld [smem:$0x3FFE];
	_ =	sdelay $0x1  }
0x8a: {  	s1 =	srdreg.scid  }
0x8b: {  	s0 =	sand.u32 $0x1, s1  }
0x8c: {  	s17 =	sshll.u32 s0, $0xA;
	s2 =	sadd.s32 s3, s2  }
0x8d: {  	s2 =	sadd.s32 s2, s17  }
0x8e: {  	[smem:$0x3FC5] =	sst s2  }
0x8f: {  	_ = 	snop  }
0x90: {  	s2 =	sld [smem:$0x3FD0];
	(tm) =	ssettm $0x1  }
0x91: {  	s18 =	sld [smem:$0x3FFB];
	_ =	sdelay $0x3  }
0x92: {  	_ =	strace s18  }
0x93: {  	s3 =	sld [smem:$0x3FFC];
	_ =	sdelay $0x3  }
0x94: {  	_ =	strace s3  }
0x95: {  	s3 =	sld [smem:$0x3FFD];
	_ =	sdelay $0x3  }
0x96: {  	_ =	strace s3  }
0x97: {  	_ =	strace $0x8FFFFFFF  }
0x98: {  	s19 =	sld [smem:$0x3FDB];
	_ =	sdelay $0x1  }
0x99: {  	s4 =	simm.s32 $_scs_section_size  }
0x9a: {  	s5 =	simm.s32 $_size__tile_overlayer_lowered;
	s6 =	simm.s32 $_tile_overlayer_lowered  }
0x9b: {  	s22 =	simm.s32 $0x1BFF;
	s21 =	sshll.u32 s6, $0x1;
	s3 =	sadd.s32 s4, s19  }
0x9c: {  	s7 =	simm.s32 $0x0;
	s20 =	sshll.u32 s5, $0x1;
	s5 =	sadd.s32 s21, s3  }
0x9d: {  	[timem:s7], [sflag:s22] =	dma.local [hbm:s5], s20  }
0x9e: {  	_ =	swait.ge [sflag:s22], s20  }
0x9f: {  	s4 =	ssub.s32 $0x0, s20;
	[sflag:s22] =	ssyncset.done $0x0  }
0xa0: {  	[sflag:s22] =	ssyncadd.s32 s4;
	_ =	sdelay $0x1  }
0xa1: {  	s23 =	simm.s32 $0x1B8B  }
0xa2: {  	_ =	swait.ge [sflag:s23], $0x1  }
0xa3: {  	[sflag:s23] =	ssyncset.done $0x0  }
0xa4: {  	s25 =	simm.s32 $0x1B8E;
	s24 =	sld [smem:$0x3FFE];
	[sflag:s23] =	ssyncadd.s32 $0xFFFFFFFF  }
0xa5: {  	s26 =	simm.s32 $execute0_lowered;
	[smem:$0x3FD2] =	sst s25  }
0xa6: {  	s5 =	sshll.u32 s26, $0x1;
	_ =	strace $0x80000046;
	[dreg:$0x1] =	wrdreg $0xFFFFFFFF  }
0xa7: {  	s28 =	simm.s32 $_size_execute0_lowered;
	s3 =	sadd.s32 s3, s5;
	[dreg:$0x0] =	wrdreg $0x0  }
0xa8: {  	s5 =	sshll.u32 s28, $0x1;
	[dreg:$0x2] =	wrdreg s3  }
0xa9: {  	[dreg:$0x3] =	wrdreg s5  }
0xaa: {  	[dreg:$0x4] =	wrdreg $0xC0  }
0xab: {  	_ =	task [dreg:s7], $0x5FFFF  }
0xac: {  	[dreg:$0x1] =	wrdreg $0xFFFFFFFF  }
0xad: {  	[dreg:$0x0] =	wrdreg $0x60  }
0xae: {  	[dreg:$0x2] =	wrdreg s24  }
0xaf: {  	[dreg:$0x3] =	wrdreg s2  }
0xb0: {  	[dreg:$0x4] =	wrdreg $0x2A800  }
0xb1: {  	[dreg:$0x5] =	wrdreg $0x9  }
0xb2: {  	_ =	task.clear_ibuf [dreg:s7], $0x6FFFF;
	_ =	strace $0x90000046  }
0xb3: {  	s29 =	simm.s32 $0x9;
	_ =	strace $0x80000048  }
0xb4: {  	_ =	swait.ge [sflag:s29], $0x1  }
0xb5: {  	[sflag:s29] =	ssyncadd.s32 $0xFFFFFFFF  }
0xb6: {  	_ =	strace $0x90000048  }
0xb7: {  	_ =	sfence  }
0xb8: {  	s30 =	sld [smem:$0x0];
	_ =	sdelay $0x2  }
0xb9: {  	s31 =	sshll.u32 s1, $0xD;
	s1 =	sshrl.u32 s1, $0x2  }
0xba: {  	s3 =	sand.u32 $0x4000, s31;
	s1 =	sadd.s32 s1, s30  }
0xbb: {  	s0 =	sor.u32 s3, s0;
	s1 =	sshll.u32 s1, $0x11  }
0xbc: {  	s0 =	sor.u32 s1, s0  }
0xbd: {  	s0 =	sadd.s32 $0x8F2B, s0  }
0xbe: {  	[sflag:s0] =	ssyncadd.remote.s32 $0x1  }
0xbf: {  	_ =	sfence.sel $0xFFFF  }
0xc0: {  	[dreg:$0x0] =	wrdreg $0xFFFFFFFF;
	(pc) =	sbr.abs _section_cstart, $3  }
0xc1: {  	[dreg:$0x1] =	wrdreg $0xFFFFFFFF  }
0xc2: {  	_ =	task.clear_ibuf [dreg:s7], $0x2FFFF;
	_ =	strace $0x9FFFFFFF  }
0xc3: {  	(tm) =	ssettm $0x7FFFFFFF  }
tec
execute0_lowered:
.L_overlay_start_1:
0x0: {  	(tag) =	ssettag $0x1  }
0x1: {  	s4 =	rddreg [dreg:$0x0]  }
0x2: {  	s0 =	srdreg.scid;
	s6 =	rddreg [dreg:$0x1]  }
0x3: {  	s2 =	rddreg [dreg:$0x2];
	s3 =	simm.s32 $0x0;
	s13 =	simm.s32 $0x20  }
0x4: {  	s14 =	simm.s32 $0x10;
	s5 =	sand.u32 $0x1, s0;
	s0 =	stileid.u32  }
0x5: {  	s15 =	simm.s32 $0x0;
	[smem:$0x7FF] =	sst s3;
	s8 =	smul.u32 $0xA00, s0  }
0x6: {  	s1 =	sshll.u32 s5, $0x4;
	s9 =	smul.u32 $0x500, s0;
	s29 =	ssub.s32 $0x2, s5  }
0x7: {  	s5 =	sshll.u32 s5, $0x7;
	s11 =	sshll.u32 s0, $0x6;
	s7 =	sor.u32 s0, s1  }
0x8: {  	s1 =	rddreg [dreg:$0x3];
	_ =	strace $0x80000047;
	s10 =	sshrl.u32 s29, $0x1  }
0x9: {  	s11 =	sor.u32 $0x1C01, s11;
	s7 =	smul.u32 $0x500, s7;
	s8 =	sshrl.u32 s8, $0x2  }
0xa: {  	s5 =	sor.u32 s5, s9;
	s30 =	ssub.s32 s29, s10;
	s9 =	simm.s32 $0x1  }
0xb: {  	s10 =	simm.s32 $0x80;
	s31 =	sshrl.u32 s5, $0x3;
	s7 =	sadd.s32 s7, s4  }
0xc: {  	s4 =	sadd.s32 s8, s2;
	s6 =	sadd.s32 s6, s31;
	s8 =	simm.s32 $0x2800  }
0xd: {  	v0 =	vimm.f32 $0.0e+00;
	v1 =	vimm.f32 $1.000000000e+00;
	s5 =	sadd.s32 $0x1000, s7;
	s7 =	smax.u32 s30, $0x1;
	s12 =	sshrl.u32 s4, $0x3  }
.LBB2_1:
0xe: {  	[tilespmem:$0x2800] =	vst v0  }
0xf: {  	[tilespmem:$0x2810] =	vst v0  }
0x10: {  	[tilespmem:$0x2820] =	vst v0  }
0x11: {  	[tilespmem:$0x2830] =	vst v0  }
0x12: {  	[tilespmem:$0x2840] =	vst v0  }
0x13: {  	[tilespmem:$0x2850] =	vst v0  }
0x14: {  	[tilespmem:$0x2860] =	vst v0  }
0x15: {  	[tilespmem:$0x2870] =	vst v0  }
0x16: {  	[tilespmem:$0x2880] =	vst v0  }
0x17: {  	[tilespmem:$0x2890] =	vst v0  }
0x18: {  	[tilespmem:$0x28A0] =	vst v0  }
0x19: {  	[tilespmem:$0x28B0] =	vst v0  }
0x1a: {  	[tilespmem:$0x28C0] =	vst v0  }
0x1b: {  	[tilespmem:$0x28D0] =	vst v0  }
0x1c: {  	[tilespmem:$0x28E0] =	vst v0  }
0x1d: {  	[tilespmem:$0x28F0] =	vst v0  }
0x1e: {  	[tilespmem:$0x2900] =	vst v0  }
0x1f: {  	[tilespmem:$0x2910] =	vst v0  }
0x20: {  	[tilespmem:$0x2920] =	vst v0  }
0x21: {  	[tilespmem:$0x2930] =	vst v0  }
0x22: {  	[tilespmem:$0x2940] =	vst v0  }
0x23: {  	[tilespmem:$0x2950] =	vst v0  }
0x24: {  	[tilespmem:$0x2960] =	vst v0  }
0x25: {  	[tilespmem:$0x2970] =	vst v0  }
0x26: {  	[tilespmem:$0x2980] =	vst v0  }
0x27: {  	[tilespmem:$0x2990] =	vst v0  }
0x28: {  	[tilespmem:$0x29A0] =	vst v0  }
0x29: {  	[tilespmem:$0x29B0] =	vst v0  }
0x2a: {  	[tilespmem:$0x29C0] =	vst v0  }
0x2b: {  	[tilespmem:$0x29D0] =	vst v0  }
0x2c: {  	[tilespmem:$0x29E0] =	vst v0  }
0x2d: {  	[tilespmem:$0x29F0] =	vst v0  }
0x2e: {  	[tilespmem:$0x2A00] =	vst v0  }
0x2f: {  	[tilespmem:$0x2A10] =	vst v0  }
0x30: {  	[tilespmem:$0x2A20] =	vst v0  }
0x31: {  	[tilespmem:$0x2A30] =	vst v0  }
0x32: {  	[tilespmem:$0x2A40] =	vst v0  }
0x33: {  	[tilespmem:$0x2A50] =	vst v0  }
0x34: {  	[tilespmem:$0x2A60] =	vst v0  }
0x35: {  	[tilespmem:$0x2A70] =	vst v0  }
0x36: {  	[spmem:s4] =	stream.linear.scatter [tilespmem:s8], [sflag:$0x1], $0x280, $0x38;
	[tilespmem:$0x2D00] =	vst v63  }
0x37: {  	_ =	swait.ge [sflag:s9], $0x280  }
0x38: {  	[sflag:s9] =	ssyncset.done $0x0  }
0x39: {  	[sflag:s9] =	ssyncadd.s32 $0xFFFFFD80  }
0x3a: {  	[tilespmem:$0x2800] =	vst v1  }
0x3b: {  	[tilespmem:$0x2810] =	vst v1  }
0x3c: {  	[tilespmem:$0x2820] =	vst v1  }
0x3d: {  	[tilespmem:$0x2830] =	vst v1  }
0x3e: {  	[tilespmem:$0x2840] =	vst v1  }
0x3f: {  	[tilespmem:$0x2850] =	vst v1  }
0x40: {  	[tilespmem:$0x2860] =	vst v1  }
0x41: {  	[tilespmem:$0x2870] =	vst v1  }
0x42: {  	[tilespmem:s3], [sflag:$0x1] =	stream.linear.gather [hbm4b:s5+s3], $0x2800, $0x38;
	[tilespmem:$0x2D00] =	vst v63  }
0x43: {  	_ =	swait.ge [sflag:s9], $0x2800  }
0x44: {  	[sflag:s9] =	ssyncset.done $0x0  }
0x45: {  	[sflag:s9] =	ssyncadd.s32 $0xFFFFD800  }
0x46: {  	s16 =	simm.s32 $0x0;
	[bflag:$0x0] =	sbarrier.arrive $0xFFFF  }
0x47: {  	[spmem:s2] =	stream.indirect.scatter.add.f32 [tilespmem:s8], [sflag:$0x1], $0x1, s16, s10, $0xb8;
	[tilespmem:$0x2D00] =	vst v63  }
0x48: {  	_ =	swait.ge [sflag:s9], $0x80  }
0x49: {  	s16 =	simm.s32 $0x200;
	[sflag:s9] =	ssyncset.done $0x0  }
.LBB2_2:
0x4a: {  	s17 =	sshra.s32 s16, $0x2;
	[sflag:s9] =	ssyncadd.s32 $0xFFFFFF80;
	p0 =	sne.s32 s16, $0x9E00  }
0x4b: {  	[spmem:s2] =	stream.indirect.scatter.add.f32 [tilespmem:s8], [sflag:$0x1], $0x1, s17, s10, $0xb8;
	[tilespmem:$0x2D00] =	vst v63  }
.Ltmp0:
0x4c: {  	_ = 	snop;
	(pc) =	sbr.rel @p0 .LBB2_2-.Ltmp0, $4  }
0x4d: {  	_ = 	snop  }
0x4e: {  	s16 =	sadd.s32 $0x200, s16  }
0x4f: {  	_ =	swait.ge [sflag:s9], $0x80  }
0x50: {  	[sflag:s9] =	ssyncset.done $0x0  }
0x51: {  	s15 =	sadd.s32 $0x1, s15  }
0x52: {  	[sflag:s9] =	ssyncadd.s32 $0xFFFFFF80;
	p0 =	sne.s32 s15, s7  }
.Ltmp1:
0x53: {  	[bflag:$0x0] =	sbarrier.arrive $0xFFFF;
	(pc) =	sbr.rel @p0 .LBB2_1-.Ltmp1, $4  }
0x54: {  	[hbm:s6@s13], [sflag:s11] =	dma.strided [spmem:s12@s14], $0x50, s9, $0x10   }
0x55: {  	_ =	swait.ge [sflag:s9], $0x50  }
0x56: {  	[sflag:s9] =	ssyncset.done $0x0  }
0x57: {  	[sflag:s9] =	ssyncadd.s32 $0xFFFFFFB0  }
0x58: {  	_ =	sfence.sel $0x180000  }
0x59: {  	[bflag:$0x0] =	sbarrier.arrive $0xFFFF  }
0x5a: {  	p0 =	sne.s32 s0, $0x0;
	_ =	strace $0x90000047  }
0x5b: {  	s0 =	sadd.s32 @!p0 $0x100000, s1;
	[bflag:$0x2] =	sbarrier.arrive $0xFFFF  }
0x5c: {  	[sflag:s0] =	ssyncadd.tile.s32 @!p0 $0x1;
	_ =	shalt  }
.Lfunc_end2:
_tile_overlayer_lowered:
.L_overlay_start_2:
0x5d: {  	(tag) =	ssettag $0x2  }
0x5e: {  	s0 =	rddreg [dreg:$0x0];
	s2 =	stileid.u32  }
0x5f: {  	s1 =	rddreg [dreg:$0x1];
	p0 =	sne.s32 s2, $0x0  }
0x60: {  	s3 =	rddreg [dreg:$0x2];
	[bflag:$0x3] =	sbarrier.arrive $0xFFFF;
	s2 =	simm.s32 @!p0 $0x1C01  }
0x61: {  	[timem:s3], [sflag:s2] =	dma.local @!p0 [hbm:s0], s1  }
0x62: {  	s0 =	simm.s32 @!p0 $0x1  }
0x63: {  	_ =	swait.ge @!p0 [sflag:s0], s1  }
0x64: {  	s1 =	ssub.s32 @!p0 $0x0, s1;
	[sflag:s0] =	ssyncset.done @!p0 $0x0  }
0x65: {  	[sflag:s0] =	ssyncadd.s32 @!p0 s1  }
0x66: {  	[bflag:$0x3] =	sbarrier.arrive $0xFFFF  }
0x67: {  	_ =	shalt  }

</sc_bundles>
